<compile_context>
chip_gen: v7x
topology: tpu7x:2x2x1
jax: 0.10.2.dev20260603
libtpu: 0.0.44.dev20260713+nightly
codegen_flags: <defaults>
</compile_context>

<pallas_src>
import functools

import jax
import jax.numpy as jnp
from jax import lax
from jax.experimental import pallas as pl
from jax.experimental.pallas import tpu as pltpu
from jax.experimental.pallas import tpu_sc as plsc

_BATCH = 4096
_MAX_LEN = 200
_EMBED = 64
_NC = 2
_NS = 16
_NW = _NC * _NS
_BW = _BATCH // _NW
_LANES = 16
_NJ = _EMBED // _LANES
_UNROLL = 4


def _make_sc_call():
  mesh = plsc.VectorSubcoreMesh(core_axis_name="c", subcore_axis_name="s")

  @functools.partial(
      pl.kernel,
      mesh=mesh,
      out_type=jax.ShapeDtypeStruct((_BATCH, _EMBED), jnp.float32),
      compiler_params=pltpu.CompilerParams(
          use_tc_tiling_on_sc=False, needs_layout_passes=False),
      scratch_types=[
          pltpu.VMEM((_BW, _MAX_LEN), jnp.int32),
          pltpu.VMEM((_MAX_LEN, _BW), jnp.int32),
          pltpu.VMEM((_MAX_LEN, _EMBED), jnp.float32),
          pltpu.VMEM((_BW, _EMBED), jnp.float32),
          pltpu.VMEM((_BW, _EMBED), jnp.float32),
          pltpu.VMEM((_BW, _EMBED), jnp.float32),
          pltpu.SemaphoreType.DMA,
          pltpu.SemaphoreType.DMA,
      ],
  )
  def sc_encoder(x_hbm, table_hbm, f_hbm, out_hbm,
                 xb_v, idx_v, f_v, rows0, rows1, acc_v, sem0, sem1):
    wid = lax.axis_index("s") * _NC + lax.axis_index("c")
    base = wid * _BW

    pltpu.sync_copy(x_hbm.at[pl.ds(base, _BW)], xb_v)
    pltpu.sync_copy(f_hbm, f_v)

    row_ids = [lax.iota(jnp.int32, 16) + blk * _LANES
               for blk in range(_BW // _LANES)]

    def tbody(l, carry):
      col = jnp.full((16,), l, dtype=jnp.int32)
      for blk in range(_BW // _LANES):
        v = plsc.load_gather(xb_v, [row_ids[blk], col])
        idx_v[l, pl.ds(blk * _LANES, _LANES)] = v
      return carry

    lax.fori_loop(0, _MAX_LEN, tbody, 0)

    zero = jnp.zeros((_LANES,), jnp.float32)

    def zbody(b, carry):
      for j in range(_NJ):
        acc_v[b, pl.ds(j * _LANES, _LANES)] = zero
      return carry

    lax.fori_loop(0, _BW, zbody, 0)

    def gather(l, rows, sem):
      pltpu.async_copy(table_hbm.at[idx_v.at[l]], rows, sem)

    def gwait(rows, sem):
      pltpu.make_async_copy(table_hbm.at[idx_v.at[0]], rows, sem).wait()

    def accum(rows, l):
      fv = [f_v[l, pl.ds(j * _LANES, _LANES)] for j in range(_NJ)]

      def bbody(b, carry):
        for u in range(_UNROLL):
          bb = b * _UNROLL + u
          for j in range(_NJ):
            sl = pl.ds(j * _LANES, _LANES)
            plsc.addupdate(acc_v.at[bb, sl], rows[bb, sl] * fv[j])
        return carry

      lax.fori_loop(0, _BW // _UNROLL, bbody, 0)

    gather(0, rows0, sem0)
    gather(1, rows1, sem1)

    def lbody(i, carry):
      l0 = 2 * i
      gwait(rows0, sem0)
      accum(rows0, l0)
      gather(l0 + 2, rows0, sem0)
      gwait(rows1, sem1)
      accum(rows1, l0 + 1)
      gather(l0 + 3, rows1, sem1)
      return carry

    lax.fori_loop(0, _MAX_LEN // 2 - 1, lbody, 0)

    gwait(rows0, sem0)
    accum(rows0, _MAX_LEN - 2)
    gwait(rows1, sem1)
    accum(rows1, _MAX_LEN - 1)

    pltpu.sync_copy(acc_v, out_hbm.at[pl.ds(base, _BW)])

  return sc_encoder


_sc_encoder = _make_sc_call()


@jax.jit
def kernel(x, table, f):
  return _sc_encoder(x.astype(jnp.int32), table, f.astype(jnp.float32))

# --- scband reference (transcript-rebuilt; emitter-appended) ---
"""Pipeline reference for scband-input-encoder-11888469475686 (READ-ONLY COPY).

The authoritative reference and input builder live on the scoring server;
editing this copy changes nothing except your own understanding.
"""

import jax, jax.numpy as jnp
import numpy as np

VOCAB = 1000000
EMBED_DIM = 64
MAX_LEN = 200
BATCH = 4096

def setup_inputs(seed: int = 0) -> dict:
    key = jax.random.key(seed)
    k1, k2, k3 = jax.random.split(key, 3)
    x = jax.random.randint(k1, (BATCH, MAX_LEN), 0, VOCAB, dtype=jnp.int64 if jax.config.jax_enable_x64 else jnp.int32)
    table = jax.random.normal(k2, (VOCAB, EMBED_DIM), dtype=jnp.float32)
    f = jnp.ones((MAX_LEN, EMBED_DIM), dtype=jnp.float32)
    return {"x": x, "table": table, "f": f}

def reference(x, table, f):
    # embedding lookup: [B, L] -> [B, L, D]
    emb = jnp.take(table, x, axis=0)
    # positional scaling by learned f[L, D], then sum over seq dim
    out = jnp.sum(emb * f, axis=1)
    return out

if __name__ == "__main__":
    import jax
    _d = setup_inputs()
    print(jax.jit(kernel)(*tuple(_d.values())))

</pallas_src>

<mosaic_0001>
#map = affine_map<(d0, d1) -> (0, 0)>
module attributes {stable_mosaic.version = 14 : i64} {
  func.func @sc_encoder(%arg0: i32, %arg1: i32, %arg2: memref<4096x200xi32, #tpu.memory_space<hbm>>, %arg3: memref<1000000x64xf32, #tpu.memory_space<hbm>>, %arg4: memref<200x64xf32, #tpu.memory_space<hbm>>, %arg5: memref<4096x64xf32, #tpu.memory_space<hbm>>, %arg6: memref<128x200xi32, #tpu.memory_space<vmem>>, %arg7: memref<200x128xi32, #tpu.memory_space<vmem>>, %arg8: memref<200x64xf32, #tpu.memory_space<vmem>>, %arg9: memref<128x64xf32, #tpu.memory_space<vmem>>, %arg10: memref<128x64xf32, #tpu.memory_space<vmem>>, %arg11: memref<128x64xf32, #tpu.memory_space<vmem>>, %arg12: memref<!tpu.dma_semaphore, #tpu.memory_space<semaphore_mem>>, %arg13: memref<!tpu.dma_semaphore, #tpu.memory_space<semaphore_mem>>) attributes {dimension_semantics = [#tpu.dimension_semantics<core_parallel>, #tpu.dimension_semantics<subcore_parallel>], iteration_bounds = array<i64: 2, 16>, scalar_prefetch = 0 : i64, scratch_operands = 8 : i64, tpu.core_type = #tpu.core_type<sc_vector_subcore>, window_params = [{transform_indices = #map}, {transform_indices = #map}, {transform_indices = #map}, {transform_indices = #map}]} {
    %mul3A = arith.constant 2 : i32
    %mul3A_0 = arith.muli %arg1, %mul3A : i32
    %add3A = arith.addi %mul3A_0, %arg0 : i32
    %mul3A_1 = arith.constant 128 : i32
    %mul3A_2 = arith.muli %add3A, %mul3A_1 : i32
    "tpu.region"() ({
      %run_scoped3A = tpu.sem_alloc : memref<!tpu.dma_semaphore, #tpu.memory_space<semaphore_mem>>
      %dma_start3A_121 = arith.constant 0 : i32
      %dma_start3A_122 = tpu.memref_slice %arg2[%mul3A_2, %dma_start3A_121] : memref<4096x200xi32, #tpu.memory_space<hbm>> -> memref<128x200xi32, #tpu.memory_space<hbm>>
      %dma_start3A_123 = arith.constant 0 : i32
      %dma_start3A_124 = tpu.memref_slice %arg2[%mul3A_2, %dma_start3A_123] : memref<4096x200xi32, #tpu.memory_space<hbm>> -> memref<128x200xi32, #tpu.memory_space<hbm>>
      tpu.enqueue_dma source(%dma_start3A_124 : memref<128x200xi32, #tpu.memory_space<hbm>>) target(%arg6 : memref<128x200xi32, #tpu.memory_space<vmem>>) target_semaphore(%run_scoped3A : memref<!tpu.dma_semaphore, #tpu.memory_space<semaphore_mem>>)
      %dma_wait3A_125 = arith.constant 0 : i32
      %dma_wait3A_126 = tpu.memref_slice %arg2[%mul3A_2, %dma_wait3A_125] : memref<4096x200xi32, #tpu.memory_space<hbm>> -> memref<128x200xi32, #tpu.memory_space<hbm>>
      %dma_wait3A_127 = arith.constant 0 : i32
      %dma_wait3A_128 = tpu.memref_slice %arg2[%mul3A_2, %dma_wait3A_127] : memref<4096x200xi32, #tpu.memory_space<hbm>> -> memref<128x200xi32, #tpu.memory_space<hbm>>
      tpu.wait_dma2 semaphore(%run_scoped3A : memref<!tpu.dma_semaphore, #tpu.memory_space<semaphore_mem>>) src(%dma_wait3A_128 : memref<128x200xi32, #tpu.memory_space<hbm>>) dst(%arg6 : memref<128x200xi32, #tpu.memory_space<vmem>>)
      tpu.yield
    }) : () -> ()
    "tpu.region"() ({
      %run_scoped3A = tpu.sem_alloc : memref<!tpu.dma_semaphore, #tpu.memory_space<semaphore_mem>>
      tpu.enqueue_dma source(%arg4 : memref<200x64xf32, #tpu.memory_space<hbm>>) target(%arg8 : memref<200x64xf32, #tpu.memory_space<vmem>>) target_semaphore(%run_scoped3A : memref<!tpu.dma_semaphore, #tpu.memory_space<semaphore_mem>>)
      tpu.wait_dma2 semaphore(%run_scoped3A : memref<!tpu.dma_semaphore, #tpu.memory_space<semaphore_mem>>) src(%arg4 : memref<200x64xf32, #tpu.memory_space<hbm>>) dst(%arg8 : memref<200x64xf32, #tpu.memory_space<vmem>>)
      tpu.yield
    }) : () -> ()
    %iota3A = tpu.iota {dimensions = array<i32: 0>} : vector<16xi32>
    %add3A_3 = arith.constant 0 : i32
    %add3A_4 = vector.broadcast %add3A_3 : i32 to vector<16xi32>
    %add3A_5 = arith.addi %iota3A, %add3A_4 : vector<16xi32>
    %iota3A_6 = tpu.iota {dimensions = array<i32: 0>} : vector<16xi32>
    %add3A_7 = arith.constant 16 : i32
    %add3A_8 = vector.broadcast %add3A_7 : i32 to vector<16xi32>
    %add3A_9 = arith.addi %iota3A_6, %add3A_8 : vector<16xi32>
    %iota3A_10 = tpu.iota {dimensions = array<i32: 0>} : vector<16xi32>
    %add3A_11 = arith.constant 32 : i32
    %add3A_12 = vector.broadcast %add3A_11 : i32 to vector<16xi32>
    %add3A_13 = arith.addi %iota3A_10, %add3A_12 : vector<16xi32>
    %iota3A_14 = tpu.iota {dimensions = array<i32: 0>} : vector<16xi32>
    %add3A_15 = arith.constant 48 : i32
    %add3A_16 = vector.broadcast %add3A_15 : i32 to vector<16xi32>
    %add3A_17 = arith.addi %iota3A_14, %add3A_16 : vector<16xi32>
    %iota3A_18 = tpu.iota {dimensions = array<i32: 0>} : vector<16xi32>
    %add3A_19 = arith.constant 64 : i32
    %add3A_20 = vector.broadcast %add3A_19 : i32 to vector<16xi32>
    %add3A_21 = arith.addi %iota3A_18, %add3A_20 : vector<16xi32>
    %iota3A_22 = tpu.iota {dimensions = array<i32: 0>} : vector<16xi32>
    %add3A_23 = arith.constant 80 : i32
    %add3A_24 = vector.broadcast %add3A_23 : i32 to vector<16xi32>
    %add3A_25 = arith.addi %iota3A_22, %add3A_24 : vector<16xi32>
    %iota3A_26 = tpu.iota {dimensions = array<i32: 0>} : vector<16xi32>
    %add3A_27 = arith.constant 96 : i32
    %add3A_28 = vector.broadcast %add3A_27 : i32 to vector<16xi32>
    %add3A_29 = arith.addi %iota3A_26, %add3A_28 : vector<16xi32>
    %iota3A_30 = tpu.iota {dimensions = array<i32: 0>} : vector<16xi32>
    %add3A_31 = arith.constant 112 : i32
    %add3A_32 = vector.broadcast %add3A_31 : i32 to vector<16xi32>
    %add3A_33 = arith.addi %iota3A_30, %add3A_32 : vector<16xi32>
    %scan3A = arith.constant 0 : i32
    %scan3A_34 = arith.constant 0 : i32
    %scan3A_35 = arith.constant 200 : i32
    %scan3A_36 = arith.addi %scan3A_34, %scan3A_35 : i32
    %scan3A_37 = arith.constant 1 : i32
    scf.for %scan3A_121 = %scan3A_34 to %scan3A_36 step %scan3A_37  : i32 {
      %broadcast_in_dim3A_122 = vector.broadcast %scan3A_121 : i32 to vector<16xi32>
      %gather3A = tpu.vector_load_idx %arg6[%add3A_5, %broadcast_in_dim3A_122] : memref<128x200xi32, #tpu.memory_space<vmem>>[vector<16xi32>, vector<16xi32>], vector<16xi32>,
      %swap3A = arith.index_cast %scan3A_121 : i32 to index
      %swap3A_123 = arith.constant 0 : index
      %swap3A_124 = tpu.vector_load %arg7[%swap3A, %swap3A_123] {strides = array<i32>} : memref<200x128xi32, #tpu.memory_space<vmem>>, vector<16xi32>,
      tpu.vector_store %arg7[%swap3A, %swap3A_123], %gather3A {strides = array<i32>} : memref<200x128xi32, #tpu.memory_space<vmem>>, vector<16xi32>,
      %gather3A_125 = tpu.vector_load_idx %arg6[%add3A_9, %broadcast_in_dim3A_122] : memref<128x200xi32, #tpu.memory_space<vmem>>[vector<16xi32>, vector<16xi32>], vector<16xi32>,
      %swap3A_126 = arith.index_cast %scan3A_121 : i32 to index
      %swap3A_127 = arith.constant 16 : index
      %swap3A_128 = tpu.vector_load %arg7[%swap3A_126, %swap3A_127] {strides = array<i32>} : memref<200x128xi32, #tpu.memory_space<vmem>>, vector<16xi32>,
      tpu.vector_store %arg7[%swap3A_126, %swap3A_127], %gather3A_125 {strides = array<i32>} : memref<200x128xi32, #tpu.memory_space<vmem>>, vector<16xi32>,
      %gather3A_129 = tpu.vector_load_idx %arg6[%add3A_13, %broadcast_in_dim3A_122] : memref<128x200xi32, #tpu.memory_space<vmem>>[vector<16xi32>, vector<16xi32>], vector<16xi32>,
      %swap3A_130 = arith.index_cast %scan3A_121 : i32 to index
      %swap3A_131 = arith.constant 32 : index
      %swap3A_132 = tpu.vector_load %arg7[%swap3A_130, %swap3A_131] {strides = array<i32>} : memref<200x128xi32, #tpu.memory_space<vmem>>, vector<16xi32>,
      tpu.vector_store %arg7[%swap3A_130, %swap3A_131], %gather3A_129 {strides = array<i32>} : memref<200x128xi32, #tpu.memory_space<vmem>>, vector<16xi32>,
      %gather3A_133 = tpu.vector_load_idx %arg6[%add3A_17, %broadcast_in_dim3A_122] : memref<128x200xi32, #tpu.memory_space<vmem>>[vector<16xi32>, vector<16xi32>], vector<16xi32>,
      %swap3A_134 = arith.index_cast %scan3A_121 : i32 to index
      %swap3A_135 = arith.constant 48 : index
      %swap3A_136 = tpu.vector_load %arg7[%swap3A_134, %swap3A_135] {strides = array<i32>} : memref<200x128xi32, #tpu.memory_space<vmem>>, vector<16xi32>,
      tpu.vector_store %arg7[%swap3A_134, %swap3A_135], %gather3A_133 {strides = array<i32>} : memref<200x128xi32, #tpu.memory_space<vmem>>, vector<16xi32>,
      %gather3A_137 = tpu.vector_load_idx %arg6[%add3A_21, %broadcast_in_dim3A_122] : memref<128x200xi32, #tpu.memory_space<vmem>>[vector<16xi32>, vector<16xi32>], vector<16xi32>,
      %swap3A_138 = arith.index_cast %scan3A_121 : i32 to index
      %swap3A_139 = arith.constant 64 : index
      %swap3A_140 = tpu.vector_load %arg7[%swap3A_138, %swap3A_139] {strides = array<i32>} : memref<200x128xi32, #tpu.memory_space<vmem>>, vector<16xi32>,
      tpu.vector_store %arg7[%swap3A_138, %swap3A_139], %gather3A_137 {strides = array<i32>} : memref<200x128xi32, #tpu.memory_space<vmem>>, vector<16xi32>,
      %gather3A_141 = tpu.vector_load_idx %arg6[%add3A_25, %broadcast_in_dim3A_122] : memref<128x200xi32, #tpu.memory_space<vmem>>[vector<16xi32>, vector<16xi32>], vector<16xi32>,
      %swap3A_142 = arith.index_cast %scan3A_121 : i32 to index
      %swap3A_143 = arith.constant 80 : index
      %swap3A_144 = tpu.vector_load %arg7[%swap3A_142, %swap3A_143] {strides = array<i32>} : memref<200x128xi32, #tpu.memory_space<vmem>>, vector<16xi32>,
      tpu.vector_store %arg7[%swap3A_142, %swap3A_143], %gather3A_141 {strides = array<i32>} : memref<200x128xi32, #tpu.memory_space<vmem>>, vector<16xi32>,
      %gather3A_145 = tpu.vector_load_idx %arg6[%add3A_29, %broadcast_in_dim3A_122] : memref<128x200xi32, #tpu.memory_space<vmem>>[vector<16xi32>, vector<16xi32>], vector<16xi32>,
      %swap3A_146 = arith.index_cast %scan3A_121 : i32 to index
      %swap3A_147 = arith.constant 96 : index
      %swap3A_148 = tpu.vector_load %arg7[%swap3A_146, %swap3A_147] {strides = array<i32>} : memref<200x128xi32, #tpu.memory_space<vmem>>, vector<16xi32>,
      tpu.vector_store %arg7[%swap3A_146, %swap3A_147], %gather3A_145 {strides = array<i32>} : memref<200x128xi32, #tpu.memory_space<vmem>>, vector<16xi32>,
      %gather3A_149 = tpu.vector_load_idx %arg6[%add3A_33, %broadcast_in_dim3A_122] : memref<128x200xi32, #tpu.memory_space<vmem>>[vector<16xi32>, vector<16xi32>], vector<16xi32>,
      %swap3A_150 = arith.index_cast %scan3A_121 : i32 to index
      %swap3A_151 = arith.constant 112 : index
      %swap3A_152 = tpu.vector_load %arg7[%swap3A_150, %swap3A_151] {strides = array<i32>} : memref<200x128xi32, #tpu.memory_space<vmem>>, vector<16xi32>,
      tpu.vector_store %arg7[%swap3A_150, %swap3A_151], %gather3A_149 {strides = array<i32>} : memref<200x128xi32, #tpu.memory_space<vmem>>, vector<16xi32>,
    }
    %scan3A_38 = arith.constant 200 : i32
    %broadcast_in_dim3A = arith.constant 0.000000e+00 : f32
    %broadcast_in_dim3A_39 = vector.broadcast %broadcast_in_dim3A : f32 to vector<16xf32>
    %scan3A_40 = arith.constant 0 : i32
    %scan3A_41 = arith.constant 0 : i32
    %scan3A_42 = arith.constant 128 : i32
    %scan3A_43 = arith.addi %scan3A_41, %scan3A_42 : i32
    %scan3A_44 = arith.constant 1 : i32
    scf.for %scan3A_121 = %scan3A_41 to %scan3A_43 step %scan3A_44  : i32 {
      %swap3A = arith.index_cast %scan3A_121 : i32 to index
      %swap3A_122 = arith.constant 0 : index
      %swap3A_123 = tpu.vector_load %arg11[%swap3A, %swap3A_122] {strides = array<i32>} : memref<128x64xf32, #tpu.memory_space<vmem>>, vector<16xf32>,
      tpu.vector_store %arg11[%swap3A, %swap3A_122], %broadcast_in_dim3A_39 {strides = array<i32>} : memref<128x64xf32, #tpu.memory_space<vmem>>, vector<16xf32>,
      %swap3A_124 = arith.index_cast %scan3A_121 : i32 to index
      %swap3A_125 = arith.constant 16 : index
      %swap3A_126 = tpu.vector_load %arg11[%swap3A_124, %swap3A_125] {strides = array<i32>} : memref<128x64xf32, #tpu.memory_space<vmem>>, vector<16xf32>,
      tpu.vector_store %arg11[%swap3A_124, %swap3A_125], %broadcast_in_dim3A_39 {strides = array<i32>} : memref<128x64xf32, #tpu.memory_space<vmem>>, vector<16xf32>,
      %swap3A_127 = arith.index_cast %scan3A_121 : i32 to index
      %swap3A_128 = arith.constant 32 : index
      %swap3A_129 = tpu.vector_load %arg11[%swap3A_127, %swap3A_128] {strides = array<i32>} : memref<128x64xf32, #tpu.memory_space<vmem>>, vector<16xf32>,
      tpu.vector_store %arg11[%swap3A_127, %swap3A_128], %broadcast_in_dim3A_39 {strides = array<i32>} : memref<128x64xf32, #tpu.memory_space<vmem>>, vector<16xf32>,
      %swap3A_130 = arith.index_cast %scan3A_121 : i32 to index
      %swap3A_131 = arith.constant 48 : index
      %swap3A_132 = tpu.vector_load %arg11[%swap3A_130, %swap3A_131] {strides = array<i32>} : memref<128x64xf32, #tpu.memory_space<vmem>>, vector<16xf32>,
      tpu.vector_store %arg11[%swap3A_130, %swap3A_131], %broadcast_in_dim3A_39 {strides = array<i32>} : memref<128x64xf32, #tpu.memory_space<vmem>>, vector<16xf32>,
    }
    %scan3A_45 = arith.constant 128 : i32
    %dma_start3A = arith.constant 0 : i32
    %dma_start3A_46 = arith.constant 0 : i32
    %dma_start3A_47 = tpu.memref_slice %arg7[%dma_start3A, %dma_start3A_46] : memref<200x128xi32, #tpu.memory_space<vmem>> -> memref<1x128xi32, #tpu.memory_space<vmem>>
    %dma_start3A_48 = tpu.memref_squeeze %dma_start3A_47 : memref<1x128xi32, #tpu.memory_space<vmem>> -> memref<128xi32, #tpu.memory_space<vmem>>
    %dma_start3A_49 = arith.constant 0 : i32
    %dma_start3A_50 = arith.constant 0 : i32
    %dma_start3A_51 = tpu.memref_slice %arg3[%dma_start3A_49, %dma_start3A_50] : memref<1000000x64xf32, #tpu.memory_space<hbm>> -> memref<1000000x64xf32, #tpu.memory_space<hbm>>
    tpu.enqueue_indirect_dma source(%dma_start3A_51 : memref<1000000x64xf32, #tpu.memory_space<hbm>>) target(%arg9 : memref<128x64xf32, #tpu.memory_space<vmem>>) offsets(%dma_start3A_48 : memref<128xi32, #tpu.memory_space<vmem>>) semaphore(%arg12 : memref<!tpu.dma_semaphore, #tpu.memory_space<semaphore_mem>>)
    %dma_start3A_52 = arith.constant 1 : i32
    %dma_start3A_53 = arith.constant 0 : i32
    %dma_start3A_54 = tpu.memref_slice %arg7[%dma_start3A_52, %dma_start3A_53] : memref<200x128xi32, #tpu.memory_space<vmem>> -> memref<1x128xi32, #tpu.memory_space<vmem>>
    %dma_start3A_55 = tpu.memref_squeeze %dma_start3A_54 : memref<1x128xi32, #tpu.memory_space<vmem>> -> memref<128xi32, #tpu.memory_space<vmem>>
    %dma_start3A_56 = arith.constant 0 : i32
    %dma_start3A_57 = arith.constant 0 : i32
    %dma_start3A_58 = tpu.memref_slice %arg3[%dma_start3A_56, %dma_start3A_57] : memref<1000000x64xf32, #tpu.memory_space<hbm>> -> memref<1000000x64xf32, #tpu.memory_space<hbm>>
    tpu.enqueue_indirect_dma source(%dma_start3A_58 : memref<1000000x64xf32, #tpu.memory_space<hbm>>) target(%arg10 : memref<128x64xf32, #tpu.memory_space<vmem>>) offsets(%dma_start3A_55 : memref<128xi32, #tpu.memory_space<vmem>>) semaphore(%arg13 : memref<!tpu.dma_semaphore, #tpu.memory_space<semaphore_mem>>)
    %scan3A_59 = arith.constant 0 : i32
    %scan3A_60 = arith.constant 0 : i32
    %scan3A_61 = arith.constant 99 : i32
    %scan3A_62 = arith.addi %scan3A_60, %scan3A_61 : i32
    %scan3A_63 = arith.constant 1 : i32
    scf.for %scan3A_121 = %scan3A_60 to %scan3A_62 step %scan3A_63  : i32 {
      %mul3A_122 = arith.constant 2 : i32
      %mul3A_123 = arith.muli %mul3A_122, %scan3A_121 : i32
      %dma_wait3A_124 = arith.constant 0 : i32
      %dma_wait3A_125 = arith.constant 0 : i32
      %dma_wait3A_126 = tpu.memref_slice %arg7[%dma_wait3A_124, %dma_wait3A_125] : memref<200x128xi32, #tpu.memory_space<vmem>> -> memref<1x128xi32, #tpu.memory_space<vmem>>
      %dma_wait3A_127 = tpu.memref_squeeze %dma_wait3A_126 : memref<1x128xi32, #tpu.memory_space<vmem>> -> memref<128xi32, #tpu.memory_space<vmem>>
      %dma_wait3A_128 = arith.constant 0 : i32
      %dma_wait3A_129 = arith.constant 0 : i32
      %dma_wait3A_130 = tpu.memref_slice %arg3[%dma_wait3A_128, %dma_wait3A_129] : memref<1000000x64xf32, #tpu.memory_space<hbm>> -> memref<1000000x64xf32, #tpu.memory_space<hbm>>
      tpu.wait_indirect_dma semaphore(%arg12 : memref<!tpu.dma_semaphore, #tpu.memory_space<semaphore_mem>>) src(%dma_wait3A_130 : memref<1000000x64xf32, #tpu.memory_space<hbm>>) dst(%arg9 : memref<128x64xf32, #tpu.memory_space<vmem>>)
      %get3A_131 = arith.index_cast %mul3A_123 : i32 to index
      %get3A_132 = arith.constant 0 : index
      %get3A_133 = tpu.vector_load %arg8[%get3A_131, %get3A_132] {strides = array<i32>} : memref<200x64xf32, #tpu.memory_space<vmem>>, vector<16xf32>,
      %get3A_134 = arith.index_cast %mul3A_123 : i32 to index
      %get3A_135 = arith.constant 16 : index
      %get3A_136 = tpu.vector_load %arg8[%get3A_134, %get3A_135] {strides = array<i32>} : memref<200x64xf32, #tpu.memory_space<vmem>>, vector<16xf32>,
      %get3A_137 = arith.index_cast %mul3A_123 : i32 to index
      %get3A_138 = arith.constant 32 : index
      %get3A_139 = tpu.vector_load %arg8[%get3A_137, %get3A_138] {strides = array<i32>} : memref<200x64xf32, #tpu.memory_space<vmem>>, vector<16xf32>,
      %get3A_140 = arith.index_cast %mul3A_123 : i32 to index
      %get3A_141 = arith.constant 48 : index
      %get3A_142 = tpu.vector_load %arg8[%get3A_140, %get3A_141] {strides = array<i32>} : memref<200x64xf32, #tpu.memory_space<vmem>>, vector<16xf32>,
      %scan3A_143 = arith.constant 0 : i32
      %scan3A_144 = arith.constant 0 : i32
      %scan3A_145 = arith.constant 32 : i32
      %scan3A_146 = arith.addi %scan3A_144, %scan3A_145 : i32
      %scan3A_147 = arith.constant 1 : i32
      scf.for %scan3A_192 = %scan3A_144 to %scan3A_146 step %scan3A_147  : i32 {
        %mul3A_193 = arith.constant 4 : i32
        %mul3A_194 = arith.muli %scan3A_192, %mul3A_193 : i32
        %add3A_195 = arith.constant 0 : i32
        %add3A_196 = arith.addi %mul3A_194, %add3A_195 : i32
        %get3A_197 = arith.index_cast %add3A_196 : i32 to index
        %get3A_198 = arith.constant 0 : index
        %get3A_199 = tpu.vector_load %arg9[%get3A_197, %get3A_198] {strides = array<i32>} : memref<128x64xf32, #tpu.memory_space<vmem>>, vector<16xf32>,
        %mul3A_200 = arith.mulf %get3A_199, %get3A_133 : vector<16xf32>
        %swap3A = arith.index_cast %add3A_196 : i32 to index
        %swap3A_201 = arith.constant 0 : index
        %swap3A_202 = tpu.vector_load %arg11[%swap3A, %swap3A_201] {strides = array<i32>} : memref<128x64xf32, #tpu.memory_space<vmem>>, vector<16xf32>,
        tpu.vector_store %arg11[%swap3A, %swap3A_201], %mul3A_200 {add = true, strides = array<i32>} : memref<128x64xf32, #tpu.memory_space<vmem>>, vector<16xf32>,
        %get3A_203 = arith.index_cast %add3A_196 : i32 to index
        %get3A_204 = arith.constant 16 : index
        %get3A_205 = tpu.vector_load %arg9[%get3A_203, %get3A_204] {strides = array<i32>} : memref<128x64xf32, #tpu.memory_space<vmem>>, vector<16xf32>,
        %mul3A_206 = arith.mulf %get3A_205, %get3A_136 : vector<16xf32>
        %swap3A_207 = arith.index_cast %add3A_196 : i32 to index
        %swap3A_208 = arith.constant 16 : index
        %swap3A_209 = tpu.vector_load %arg11[%swap3A_207, %swap3A_208] {strides = array<i32>} : memref<128x64xf32, #tpu.memory_space<vmem>>, vector<16xf32>,
        tpu.vector_store %arg11[%swap3A_207, %swap3A_208], %mul3A_206 {add = true, strides = array<i32>} : memref<128x64xf32, #tpu.memory_space<vmem>>, vector<16xf32>,
        %get3A_210 = arith.index_cast %add3A_196 : i32 to index
        %get3A_211 = arith.constant 32 : index
        %get3A_212 = tpu.vector_load %arg9[%get3A_210, %get3A_211] {strides = array<i32>} : memref<128x64xf32, #tpu.memory_space<vmem>>, vector<16xf32>,
        %mul3A_213 = arith.mulf %get3A_212, %get3A_139 : vector<16xf32>
        %swap3A_214 = arith.index_cast %add3A_196 : i32 to index
        %swap3A_215 = arith.constant 32 : index
        %swap3A_216 = tpu.vector_load %arg11[%swap3A_214, %swap3A_215] {strides = array<i32>} : memref<128x64xf32, #tpu.memory_space<vmem>>, vector<16xf32>,
        tpu.vector_store %arg11[%swap3A_214, %swap3A_215], %mul3A_213 {add = true, strides = array<i32>} : memref<128x64xf32, #tpu.memory_space<vmem>>, vector<16xf32>,
        %get3A_217 = arith.index_cast %add3A_196 : i32 to index
        %get3A_218 = arith.constant 48 : index
        %get3A_219 = tpu.vector_load %arg9[%get3A_217, %get3A_218] {strides = array<i32>} : memref<128x64xf32, #tpu.memory_space<vmem>>, vector<16xf32>,
        %mul3A_220 = arith.mulf %get3A_219, %get3A_142 : vector<16xf32>
        %swap3A_221 = arith.index_cast %add3A_196 : i32 to index
        %swap3A_222 = arith.constant 48 : index
        %swap3A_223 = tpu.vector_load %arg11[%swap3A_221, %swap3A_222] {strides = array<i32>} : memref<128x64xf32, #tpu.memory_space<vmem>>, vector<16xf32>,
        tpu.vector_store %arg11[%swap3A_221, %swap3A_222], %mul3A_220 {add = true, strides = array<i32>} : memref<128x64xf32, #tpu.memory_space<vmem>>, vector<16xf32>,
        %mul3A_224 = arith.constant 4 : i32
        %mul3A_225 = arith.muli %scan3A_192, %mul3A_224 : i32
        %add3A_226 = arith.constant 1 : i32
        %add3A_227 = arith.addi %mul3A_225, %add3A_226 : i32
        %get3A_228 = arith.index_cast %add3A_227 : i32 to index
        %get3A_229 = arith.constant 0 : index
        %get3A_230 = tpu.vector_load %arg9[%get3A_228, %get3A_229] {strides = array<i32>} : memref<128x64xf32, #tpu.memory_space<vmem>>, vector<16xf32>,
        %mul3A_231 = arith.mulf %get3A_230, %get3A_133 : vector<16xf32>
        %swap3A_232 = arith.index_cast %add3A_227 : i32 to index
        %swap3A_233 = arith.constant 0 : index
        %swap3A_234 = tpu.vector_load %arg11[%swap3A_232, %swap3A_233] {strides = array<i32>} : memref<128x64xf32, #tpu.memory_space<vmem>>, vector<16xf32>,
        tpu.vector_store %arg11[%swap3A_232, %swap3A_233], %mul3A_231 {add = true, strides = array<i32>} : memref<128x64xf32, #tpu.memory_space<vmem>>, vector<16xf32>,
        %get3A_235 = arith.index_cast %add3A_227 : i32 to index
        %get3A_236 = arith.constant 16 : index
        %get3A_237 = tpu.vector_load %arg9[%get3A_235, %get3A_236] {strides = array<i32>} : memref<128x64xf32, #tpu.memory_space<vmem>>, vector<16xf32>,
        %mul3A_238 = arith.mulf %get3A_237, %get3A_136 : vector<16xf32>
        %swap3A_239 = arith.index_cast %add3A_227 : i32 to index
        %swap3A_240 = arith.constant 16 : index
        %swap3A_241 = tpu.vector_load %arg11[%swap3A_239, %swap3A_240] {strides = array<i32>} : memref<128x64xf32, #tpu.memory_space<vmem>>, vector<16xf32>,
        tpu.vector_store %arg11[%swap3A_239, %swap3A_240], %mul3A_238 {add = true, strides = array<i32>} : memref<128x64xf32, #tpu.memory_space<vmem>>, vector<16xf32>,
        %get3A_242 = arith.index_cast %add3A_227 : i32 to index
        %get3A_243 = arith.constant 32 : index
        %get3A_244 = tpu.vector_load %arg9[%get3A_242, %get3A_243] {strides = array<i32>} : memref<128x64xf32, #tpu.memory_space<vmem>>, vector<16xf32>,
        %mul3A_245 = arith.mulf %get3A_244, %get3A_139 : vector<16xf32>
        %swap3A_246 = arith.index_cast %add3A_227 : i32 to index
        %swap3A_247 = arith.constant 32 : index
        %swap3A_248 = tpu.vector_load %arg11[%swap3A_246, %swap3A_247] {strides = array<i32>} : memref<128x64xf32, #tpu.memory_space<vmem>>, vector<16xf32>,
        tpu.vector_store %arg11[%swap3A_246, %swap3A_247], %mul3A_245 {add = true, strides = array<i32>} : memref<128x64xf32, #tpu.memory_space<vmem>>, vector<16xf32>,
        %get3A_249 = arith.index_cast %add3A_227 : i32 to index
        %get3A_250 = arith.constant 48 : index
        %get3A_251 = tpu.vector_load %arg9[%get3A_249, %get3A_250] {strides = array<i32>} : memref<128x64xf32, #tpu.memory_space<vmem>>, vector<16xf32>,
        %mul3A_252 = arith.mulf %get3A_251, %get3A_142 : vector<16xf32>
        %swap3A_253 = arith.index_cast %add3A_227 : i32 to index
        %swap3A_254 = arith.constant 48 : index
        %swap3A_255 = tpu.vector_load %arg11[%swap3A_253, %swap3A_254] {strides = array<i32>} : memref<128x64xf32, #tpu.memory_space<vmem>>, vector<16xf32>,
        tpu.vector_store %arg11[%swap3A_253, %swap3A_254], %mul3A_252 {add = true, strides = array<i32>} : memref<128x64xf32, #tpu.memory_space<vmem>>, vector<16xf32>,
        %mul3A_256 = arith.constant 4 : i32
        %mul3A_257 = arith.muli %scan3A_192, %mul3A_256 : i32
        %add3A_258 = arith.constant 2 : i32
        %add3A_259 = arith.addi %mul3A_257, %add3A_258 : i32
        %get3A_260 = arith.index_cast %add3A_259 : i32 to index
        %get3A_261 = arith.constant 0 : index
        %get3A_262 = tpu.vector_load %arg9[%get3A_260, %get3A_261] {strides = array<i32>} : memref<128x64xf32, #tpu.memory_space<vmem>>, vector<16xf32>,
        %mul3A_263 = arith.mulf %get3A_262, %get3A_133 : vector<16xf32>
        %swap3A_264 = arith.index_cast %add3A_259 : i32 to index
        %swap3A_265 = arith.constant 0 : index
        %swap3A_266 = tpu.vector_load %arg11[%swap3A_264, %swap3A_265] {strides = array<i32>} : memref<128x64xf32, #tpu.memory_space<vmem>>, vector<16xf32>,
        tpu.vector_store %arg11[%swap3A_264, %swap3A_265], %mul3A_263 {add = true, strides = array<i32>} : memref<128x64xf32, #tpu.memory_space<vmem>>, vector<16xf32>,
        %get3A_267 = arith.index_cast %add3A_259 : i32 to index
        %get3A_268 = arith.constant 16 : index
        %get3A_269 = tpu.vector_load %arg9[%get3A_267, %get3A_268] {strides = array<i32>} : memref<128x64xf32, #tpu.memory_space<vmem>>, vector<16xf32>,
        %mul3A_270 = arith.mulf %get3A_269, %get3A_136 : vector<16xf32>
        %swap3A_271 = arith.index_cast %add3A_259 : i32 to index
        %swap3A_272 = arith.constant 16 : index
        %swap3A_273 = tpu.vector_load %arg11[%swap3A_271, %swap3A_272] {strides = array<i32>} : memref<128x64xf32, #tpu.memory_space<vmem>>, vector<16xf32>,
        tpu.vector_store %arg11[%swap3A_271, %swap3A_272], %mul3A_270 {add = true, strides = array<i32>} : memref<128x64xf32, #tpu.memory_space<vmem>>, vector<16xf32>,
        %get3A_274 = arith.index_cast %add3A_259 : i32 to index
        %get3A_275 = arith.constant 32 : index
        %get3A_276 = tpu.vector_load %arg9[%get3A_274, %get3A_275] {strides = array<i32>} : memref<128x64xf32, #tpu.memory_space<vmem>>, vector<16xf32>,
        %mul3A_277 = arith.mulf %get3A_276, %get3A_139 : vector<16xf32>
        %swap3A_278 = arith.index_cast %add3A_259 : i32 to index
        %swap3A_279 = arith.constant 32 : index
        %swap3A_280 = tpu.vector_load %arg11[%swap3A_278, %swap3A_279] {strides = array<i32>} : memref<128x64xf32, #tpu.memory_space<vmem>>, vector<16xf32>,
        tpu.vector_store %arg11[%swap3A_278, %swap3A_279], %mul3A_277 {add = true, strides = array<i32>} : memref<128x64xf32, #tpu.memory_space<vmem>>, vector<16xf32>,
        %get3A_281 = arith.index_cast %add3A_259 : i32 to index
        %get3A_282 = arith.constant 48 : index
        %get3A_283 = tpu.vector_load %arg9[%get3A_281, %get3A_282] {strides = array<i32>} : memref<128x64xf32, #tpu.memory_space<vmem>>, vector<16xf32>,
        %mul3A_284 = arith.mulf %get3A_283, %get3A_142 : vector<16xf32>
        %swap3A_285 = arith.index_cast %add3A_259 : i32 to index
        %swap3A_286 = arith.constant 48 : index
        %swap3A_287 = tpu.vector_load %arg11[%swap3A_285, %swap3A_286] {strides = array<i32>} : memref<128x64xf32, #tpu.memory_space<vmem>>, vector<16xf32>,
        tpu.vector_store %arg11[%swap3A_285, %swap3A_286], %mul3A_284 {add = true, strides = array<i32>} : memref<128x64xf32, #tpu.memory_space<vmem>>, vector<16xf32>,
        %mul3A_288 = arith.constant 4 : i32
        %mul3A_289 = arith.muli %scan3A_192, %mul3A_288 : i32
        %add3A_290 = arith.constant 3 : i32
        %add3A_291 = arith.addi %mul3A_289, %add3A_290 : i32
        %get3A_292 = arith.index_cast %add3A_291 : i32 to index
        %get3A_293 = arith.constant 0 : index
        %get3A_294 = tpu.vector_load %arg9[%get3A_292, %get3A_293] {strides = array<i32>} : memref<128x64xf32, #tpu.memory_space<vmem>>, vector<16xf32>,
        %mul3A_295 = arith.mulf %get3A_294, %get3A_133 : vector<16xf32>
        %swap3A_296 = arith.index_cast %add3A_291 : i32 to index
        %swap3A_297 = arith.constant 0 : index
        %swap3A_298 = tpu.vector_load %arg11[%swap3A_296, %swap3A_297] {strides = array<i32>} : memref<128x64xf32, #tpu.memory_space<vmem>>, vector<16xf32>,
        tpu.vector_store %arg11[%swap3A_296, %swap3A_297], %mul3A_295 {add = true, strides = array<i32>} : memref<128x64xf32, #tpu.memory_space<vmem>>, vector<16xf32>,
        %get3A_299 = arith.index_cast %add3A_291 : i32 to index
        %get3A_300 = arith.constant 16 : index
        %get3A_301 = tpu.vector_load %arg9[%get3A_299, %get3A_300] {strides = array<i32>} : memref<128x64xf32, #tpu.memory_space<vmem>>, vector<16xf32>,
        %mul3A_302 = arith.mulf %get3A_301, %get3A_136 : vector<16xf32>
        %swap3A_303 = arith.index_cast %add3A_291 : i32 to index
        %swap3A_304 = arith.constant 16 : index
        %swap3A_305 = tpu.vector_load %arg11[%swap3A_303, %swap3A_304] {strides = array<i32>} : memref<128x64xf32, #tpu.memory_space<vmem>>, vector<16xf32>,
        tpu.vector_store %arg11[%swap3A_303, %swap3A_304], %mul3A_302 {add = true, strides = array<i32>} : memref<128x64xf32, #tpu.memory_space<vmem>>, vector<16xf32>,
        %get3A_306 = arith.index_cast %add3A_291 : i32 to index
        %get3A_307 = arith.constant 32 : index
        %get3A_308 = tpu.vector_load %arg9[%get3A_306, %get3A_307] {strides = array<i32>} : memref<128x64xf32, #tpu.memory_space<vmem>>, vector<16xf32>,
        %mul3A_309 = arith.mulf %get3A_308, %get3A_139 : vector<16xf32>
        %swap3A_310 = arith.index_cast %add3A_291 : i32 to index
        %swap3A_311 = arith.constant 32 : index
        %swap3A_312 = tpu.vector_load %arg11[%swap3A_310, %swap3A_311] {strides = array<i32>} : memref<128x64xf32, #tpu.memory_space<vmem>>, vector<16xf32>,
        tpu.vector_store %arg11[%swap3A_310, %swap3A_311], %mul3A_309 {add = true, strides = array<i32>} : memref<128x64xf32, #tpu.memory_space<vmem>>, vector<16xf32>,
        %get3A_313 = arith.index_cast %add3A_291 : i32 to index
        %get3A_314 = arith.constant 48 : index
        %get3A_315 = tpu.vector_load %arg9[%get3A_313, %get3A_314] {strides = array<i32>} : memref<128x64xf32, #tpu.memory_space<vmem>>, vector<16xf32>,
        %mul3A_316 = arith.mulf %get3A_315, %get3A_142 : vector<16xf32>
        %swap3A_317 = arith.index_cast %add3A_291 : i32 to index
        %swap3A_318 = arith.constant 48 : index
        %swap3A_319 = tpu.vector_load %arg11[%swap3A_317, %swap3A_318] {strides = array<i32>} : memref<128x64xf32, #tpu.memory_space<vmem>>, vector<16xf32>,
        tpu.vector_store %arg11[%swap3A_317, %swap3A_318], %mul3A_316 {add = true, strides = array<i32>} : memref<128x64xf32, #tpu.memory_space<vmem>>, vector<16xf32>,
      }
      %scan3A_148 = arith.constant 32 : i32
      %add3A_149 = arith.constant 2 : i32
      %add3A_150 = arith.addi %mul3A_123, %add3A_149 : i32
      %dma_start3A_151 = arith.constant 0 : i32
      %dma_start3A_152 = tpu.memref_slice %arg7[%add3A_150, %dma_start3A_151] : memref<200x128xi32, #tpu.memory_space<vmem>> -> memref<1x128xi32, #tpu.memory_space<vmem>>
      %dma_start3A_153 = tpu.memref_squeeze %dma_start3A_152 : memref<1x128xi32, #tpu.memory_space<vmem>> -> memref<128xi32, #tpu.memory_space<vmem>>
      %dma_start3A_154 = arith.constant 0 : i32
      %dma_start3A_155 = arith.constant 0 : i32
      %dma_start3A_156 = tpu.memref_slice %arg3[%dma_start3A_154, %dma_start3A_155] : memref<1000000x64xf32, #tpu.memory_space<hbm>> -> memref<1000000x64xf32, #tpu.memory_space<hbm>>
      tpu.enqueue_indirect_dma source(%dma_start3A_156 : memref<1000000x64xf32, #tpu.memory_space<hbm>>) target(%arg9 : memref<128x64xf32, #tpu.memory_space<vmem>>) offsets(%dma_start3A_153 : memref<128xi32, #tpu.memory_space<vmem>>) semaphore(%arg12 : memref<!tpu.dma_semaphore, #tpu.memory_space<semaphore_mem>>)
      %dma_wait3A_157 = arith.constant 0 : i32
      %dma_wait3A_158 = arith.constant 0 : i32
      %dma_wait3A_159 = tpu.memref_slice %arg7[%dma_wait3A_157, %dma_wait3A_158] : memref<200x128xi32, #tpu.memory_space<vmem>> -> memref<1x128xi32, #tpu.memory_space<vmem>>
      %dma_wait3A_160 = tpu.memref_squeeze %dma_wait3A_159 : memref<1x128xi32, #tpu.memory_space<vmem>> -> memref<128xi32, #tpu.memory_space<vmem>>
      %dma_wait3A_161 = arith.constant 0 : i32
      %dma_wait3A_162 = arith.constant 0 : i32
      %dma_wait3A_163 = tpu.memref_slice %arg3[%dma_wait3A_161, %dma_wait3A_162] : memref<1000000x64xf32, #tpu.memory_space<hbm>> -> memref<1000000x64xf32, #tpu.memory_space<hbm>>
      tpu.wait_indirect_dma semaphore(%arg13 : memref<!tpu.dma_semaphore, #tpu.memory_space<semaphore_mem>>) src(%dma_wait3A_163 : memref<1000000x64xf32, #tpu.memory_space<hbm>>) dst(%arg10 : memref<128x64xf32, #tpu.memory_space<vmem>>)
      %add3A_164 = arith.constant 1 : i32
      %add3A_165 = arith.addi %mul3A_123, %add3A_164 : i32
      %get3A_166 = arith.index_cast %add3A_165 : i32 to index
      %get3A_167 = arith.constant 0 : index
      %get3A_168 = tpu.vector_load %arg8[%get3A_166, %get3A_167] {strides = array<i32>} : memref<200x64xf32, #tpu.memory_space<vmem>>, vector<16xf32>,
      %get3A_169 = arith.index_cast %add3A_165 : i32 to index
      %get3A_170 = arith.constant 16 : index
      %get3A_171 = tpu.vector_load %arg8[%get3A_169, %get3A_170] {strides = array<i32>} : memref<200x64xf32, #tpu.memory_space<vmem>>, vector<16xf32>,
      %get3A_172 = arith.index_cast %add3A_165 : i32 to index
      %get3A_173 = arith.constant 32 : index
      %get3A_174 = tpu.vector_load %arg8[%get3A_172, %get3A_173] {strides = array<i32>} : memref<200x64xf32, #tpu.memory_space<vmem>>, vector<16xf32>,
      %get3A_175 = arith.index_cast %add3A_165 : i32 to index
      %get3A_176 = arith.constant 48 : index
      %get3A_177 = tpu.vector_load %arg8[%get3A_175, %get3A_176] {strides = array<i32>} : memref<200x64xf32, #tpu.memory_space<vmem>>, vector<16xf32>,
      %scan3A_178 = arith.constant 0 : i32
      %scan3A_179 = arith.constant 0 : i32
      %scan3A_180 = arith.constant 32 : i32
      %scan3A_181 = arith.addi %scan3A_179, %scan3A_180 : i32
      %scan3A_182 = arith.constant 1 : i32
      scf.for %scan3A_192 = %scan3A_179 to %scan3A_181 step %scan3A_182  : i32 {
        %mul3A_193 = arith.constant 4 : i32
        %mul3A_194 = arith.muli %scan3A_192, %mul3A_193 : i32
        %add3A_195 = arith.constant 0 : i32
        %add3A_196 = arith.addi %mul3A_194, %add3A_195 : i32
        %get3A_197 = arith.index_cast %add3A_196 : i32 to index
        %get3A_198 = arith.constant 0 : index
        %get3A_199 = tpu.vector_load %arg10[%get3A_197, %get3A_198] {strides = array<i32>} : memref<128x64xf32, #tpu.memory_space<vmem>>, vector<16xf32>,
        %mul3A_200 = arith.mulf %get3A_199, %get3A_168 : vector<16xf32>
        %swap3A = arith.index_cast %add3A_196 : i32 to index
        %swap3A_201 = arith.constant 0 : index
        %swap3A_202 = tpu.vector_load %arg11[%swap3A, %swap3A_201] {strides = array<i32>} : memref<128x64xf32, #tpu.memory_space<vmem>>, vector<16xf32>,
        tpu.vector_store %arg11[%swap3A, %swap3A_201], %mul3A_200 {add = true, strides = array<i32>} : memref<128x64xf32, #tpu.memory_space<vmem>>, vector<16xf32>,
        %get3A_203 = arith.index_cast %add3A_196 : i32 to index
        %get3A_204 = arith.constant 16 : index
        %get3A_205 = tpu.vector_load %arg10[%get3A_203, %get3A_204] {strides = array<i32>} : memref<128x64xf32, #tpu.memory_space<vmem>>, vector<16xf32>,
        %mul3A_206 = arith.mulf %get3A_205, %get3A_171 : vector<16xf32>
        %swap3A_207 = arith.index_cast %add3A_196 : i32 to index
        %swap3A_208 = arith.constant 16 : index
        %swap3A_209 = tpu.vector_load %arg11[%swap3A_207, %swap3A_208] {strides = array<i32>} : memref<128x64xf32, #tpu.memory_space<vmem>>, vector<16xf32>,
        tpu.vector_store %arg11[%swap3A_207, %swap3A_208], %mul3A_206 {add = true, strides = array<i32>} : memref<128x64xf32, #tpu.memory_space<vmem>>, vector<16xf32>,
        %get3A_210 = arith.index_cast %add3A_196 : i32 to index
        %get3A_211 = arith.constant 32 : index
        %get3A_212 = tpu.vector_load %arg10[%get3A_210, %get3A_211] {strides = array<i32>} : memref<128x64xf32, #tpu.memory_space<vmem>>, vector<16xf32>,
        %mul3A_213 = arith.mulf %get3A_212, %get3A_174 : vector<16xf32>
        %swap3A_214 = arith.index_cast %add3A_196 : i32 to index
        %swap3A_215 = arith.constant 32 : index
        %swap3A_216 = tpu.vector_load %arg11[%swap3A_214, %swap3A_215] {strides = array<i32>} : memref<128x64xf32, #tpu.memory_space<vmem>>, vector<16xf32>,
        tpu.vector_store %arg11[%swap3A_214, %swap3A_215], %mul3A_213 {add = true, strides = array<i32>} : memref<128x64xf32, #tpu.memory_space<vmem>>, vector<16xf32>,
        %get3A_217 = arith.index_cast %add3A_196 : i32 to index
        %get3A_218 = arith.constant 48 : index
        %get3A_219 = tpu.vector_load %arg10[%get3A_217, %get3A_218] {strides = array<i32>} : memref<128x64xf32, #tpu.memory_space<vmem>>, vector<16xf32>,
        %mul3A_220 = arith.mulf %get3A_219, %get3A_177 : vector<16xf32>
        %swap3A_221 = arith.index_cast %add3A_196 : i32 to index
        %swap3A_222 = arith.constant 48 : index
        %swap3A_223 = tpu.vector_load %arg11[%swap3A_221, %swap3A_222] {strides = array<i32>} : memref<128x64xf32, #tpu.memory_space<vmem>>, vector<16xf32>,
        tpu.vector_store %arg11[%swap3A_221, %swap3A_222], %mul3A_220 {add = true, strides = array<i32>} : memref<128x64xf32, #tpu.memory_space<vmem>>, vector<16xf32>,
        %mul3A_224 = arith.constant 4 : i32
        %mul3A_225 = arith.muli %scan3A_192, %mul3A_224 : i32
        %add3A_226 = arith.constant 1 : i32
        %add3A_227 = arith.addi %mul3A_225, %add3A_226 : i32
        %get3A_228 = arith.index_cast %add3A_227 : i32 to index
        %get3A_229 = arith.constant 0 : index
        %get3A_230 = tpu.vector_load %arg10[%get3A_228, %get3A_229] {strides = array<i32>} : memref<128x64xf32, #tpu.memory_space<vmem>>, vector<16xf32>,
        %mul3A_231 = arith.mulf %get3A_230, %get3A_168 : vector<16xf32>
        %swap3A_232 = arith.index_cast %add3A_227 : i32 to index
        %swap3A_233 = arith.constant 0 : index
        %swap3A_234 = tpu.vector_load %arg11[%swap3A_232, %swap3A_233] {strides = array<i32>} : memref<128x64xf32, #tpu.memory_space<vmem>>, vector<16xf32>,
        tpu.vector_store %arg11[%swap3A_232, %swap3A_233], %mul3A_231 {add = true, strides = array<i32>} : memref<128x64xf32, #tpu.memory_space<vmem>>, vector<16xf32>,
        %get3A_235 = arith.index_cast %add3A_227 : i32 to index
        %get3A_236 = arith.constant 16 : index
        %get3A_237 = tpu.vector_load %arg10[%get3A_235, %get3A_236] {strides = array<i32>} : memref<128x64xf32, #tpu.memory_space<vmem>>, vector<16xf32>,
        %mul3A_238 = arith.mulf %get3A_237, %get3A_171 : vector<16xf32>
        %swap3A_239 = arith.index_cast %add3A_227 : i32 to index
        %swap3A_240 = arith.constant 16 : index
        %swap3A_241 = tpu.vector_load %arg11[%swap3A_239, %swap3A_240] {strides = array<i32>} : memref<128x64xf32, #tpu.memory_space<vmem>>, vector<16xf32>,
        tpu.vector_store %arg11[%swap3A_239, %swap3A_240], %mul3A_238 {add = true, strides = array<i32>} : memref<128x64xf32, #tpu.memory_space<vmem>>, vector<16xf32>,
        %get3A_242 = arith.index_cast %add3A_227 : i32 to index
        %get3A_243 = arith.constant 32 : index
        %get3A_244 = tpu.vector_load %arg10[%get3A_242, %get3A_243] {strides = array<i32>} : memref<128x64xf32, #tpu.memory_space<vmem>>, vector<16xf32>,
        %mul3A_245 = arith.mulf %get3A_244, %get3A_174 : vector<16xf32>
        %swap3A_246 = arith.index_cast %add3A_227 : i32 to index
        %swap3A_247 = arith.constant 32 : index
        %swap3A_248 = tpu.vector_load %arg11[%swap3A_246, %swap3A_247] {strides = array<i32>} : memref<128x64xf32, #tpu.memory_space<vmem>>, vector<16xf32>,
        tpu.vector_store %arg11[%swap3A_246, %swap3A_247], %mul3A_245 {add = true, strides = array<i32>} : memref<128x64xf32, #tpu.memory_space<vmem>>, vector<16xf32>,
        %get3A_249 = arith.index_cast %add3A_227 : i32 to index
        %get3A_250 = arith.constant 48 : index
        %get3A_251 = tpu.vector_load %arg10[%get3A_249, %get3A_250] {strides = array<i32>} : memref<128x64xf32, #tpu.memory_space<vmem>>, vector<16xf32>,
        %mul3A_252 = arith.mulf %get3A_251, %get3A_177 : vector<16xf32>
        %swap3A_253 = arith.index_cast %add3A_227 : i32 to index
        %swap3A_254 = arith.constant 48 : index
        %swap3A_255 = tpu.vector_load %arg11[%swap3A_253, %swap3A_254] {strides = array<i32>} : memref<128x64xf32, #tpu.memory_space<vmem>>, vector<16xf32>,
        tpu.vector_store %arg11[%swap3A_253, %swap3A_254], %mul3A_252 {add = true, strides = array<i32>} : memref<128x64xf32, #tpu.memory_space<vmem>>, vector<16xf32>,
        %mul3A_256 = arith.constant 4 : i32
        %mul3A_257 = arith.muli %scan3A_192, %mul3A_256 : i32
        %add3A_258 = arith.constant 2 : i32
        %add3A_259 = arith.addi %mul3A_257, %add3A_258 : i32
        %get3A_260 = arith.index_cast %add3A_259 : i32 to index
        %get3A_261 = arith.constant 0 : index
        %get3A_262 = tpu.vector_load %arg10[%get3A_260, %get3A_261] {strides = array<i32>} : memref<128x64xf32, #tpu.memory_space<vmem>>, vector<16xf32>,
        %mul3A_263 = arith.mulf %get3A_262, %get3A_168 : vector<16xf32>
        %swap3A_264 = arith.index_cast %add3A_259 : i32 to index
        %swap3A_265 = arith.constant 0 : index
        %swap3A_266 = tpu.vector_load %arg11[%swap3A_264, %swap3A_265] {strides = array<i32>} : memref<128x64xf32, #tpu.memory_space<vmem>>, vector<16xf32>,
        tpu.vector_store %arg11[%swap3A_264, %swap3A_265], %mul3A_263 {add = true, strides = array<i32>} : memref<128x64xf32, #tpu.memory_space<vmem>>, vector<16xf32>,
        %get3A_267 = arith.index_cast %add3A_259 : i32 to index
        %get3A_268 = arith.constant 16 : index
        %get3A_269 = tpu.vector_load %arg10[%get3A_267, %get3A_268] {strides = array<i32>} : memref<128x64xf32, #tpu.memory_space<vmem>>, vector<16xf32>,
        %mul3A_270 = arith.mulf %get3A_269, %get3A_171 : vector<16xf32>
        %swap3A_271 = arith.index_cast %add3A_259 : i32 to index
        %swap3A_272 = arith.constant 16 : index
        %swap3A_273 = tpu.vector_load %arg11[%swap3A_271, %swap3A_272] {strides = array<i32>} : memref<128x64xf32, #tpu.memory_space<vmem>>, vector<16xf32>,
        tpu.vector_store %arg11[%swap3A_271, %swap3A_272], %mul3A_270 {add = true, strides = array<i32>} : memref<128x64xf32, #tpu.memory_space<vmem>>, vector<16xf32>,
        %get3A_274 = arith.index_cast %add3A_259 : i32 to index
        %get3A_275 = arith.constant 32 : index
        %get3A_276 = tpu.vector_load %arg10[%get3A_274, %get3A_275] {strides = array<i32>} : memref<128x64xf32, #tpu.memory_space<vmem>>, vector<16xf32>,
        %mul3A_277 = arith.mulf %get3A_276, %get3A_174 : vector<16xf32>
        %swap3A_278 = arith.index_cast %add3A_259 : i32 to index
        %swap3A_279 = arith.constant 32 : index
        %swap3A_280 = tpu.vector_load %arg11[%swap3A_278, %swap3A_279] {strides = array<i32>} : memref<128x64xf32, #tpu.memory_space<vmem>>, vector<16xf32>,
        tpu.vector_store %arg11[%swap3A_278, %swap3A_279], %mul3A_277 {add = true, strides = array<i32>} : memref<128x64xf32, #tpu.memory_space<vmem>>, vector<16xf32>,
        %get3A_281 = arith.index_cast %add3A_259 : i32 to index
        %get3A_282 = arith.constant 48 : index
        %get3A_283 = tpu.vector_load %arg10[%get3A_281, %get3A_282] {strides = array<i32>} : memref<128x64xf32, #tpu.memory_space<vmem>>, vector<16xf32>,
        %mul3A_284 = arith.mulf %get3A_283, %get3A_177 : vector<16xf32>
        %swap3A_285 = arith.index_cast %add3A_259 : i32 to index
        %swap3A_286 = arith.constant 48 : index
        %swap3A_287 = tpu.vector_load %arg11[%swap3A_285, %swap3A_286] {strides = array<i32>} : memref<128x64xf32, #tpu.memory_space<vmem>>, vector<16xf32>,
        tpu.vector_store %arg11[%swap3A_285, %swap3A_286], %mul3A_284 {add = true, strides = array<i32>} : memref<128x64xf32, #tpu.memory_space<vmem>>, vector<16xf32>,
        %mul3A_288 = arith.constant 4 : i32
        %mul3A_289 = arith.muli %scan3A_192, %mul3A_288 : i32
        %add3A_290 = arith.constant 3 : i32
        %add3A_291 = arith.addi %mul3A_289, %add3A_290 : i32
        %get3A_292 = arith.index_cast %add3A_291 : i32 to index
        %get3A_293 = arith.constant 0 : index
        %get3A_294 = tpu.vector_load %arg10[%get3A_292, %get3A_293] {strides = array<i32>} : memref<128x64xf32, #tpu.memory_space<vmem>>, vector<16xf32>,
        %mul3A_295 = arith.mulf %get3A_294, %get3A_168 : vector<16xf32>
        %swap3A_296 = arith.index_cast %add3A_291 : i32 to index
        %swap3A_297 = arith.constant 0 : index
        %swap3A_298 = tpu.vector_load %arg11[%swap3A_296, %swap3A_297] {strides = array<i32>} : memref<128x64xf32, #tpu.memory_space<vmem>>, vector<16xf32>,
        tpu.vector_store %arg11[%swap3A_296, %swap3A_297], %mul3A_295 {add = true, strides = array<i32>} : memref<128x64xf32, #tpu.memory_space<vmem>>, vector<16xf32>,
        %get3A_299 = arith.index_cast %add3A_291 : i32 to index
        %get3A_300 = arith.constant 16 : index
        %get3A_301 = tpu.vector_load %arg10[%get3A_299, %get3A_300] {strides = array<i32>} : memref<128x64xf32, #tpu.memory_space<vmem>>, vector<16xf32>,
        %mul3A_302 = arith.mulf %get3A_301, %get3A_171 : vector<16xf32>
        %swap3A_303 = arith.index_cast %add3A_291 : i32 to index
        %swap3A_304 = arith.constant 16 : index
        %swap3A_305 = tpu.vector_load %arg11[%swap3A_303, %swap3A_304] {strides = array<i32>} : memref<128x64xf32, #tpu.memory_space<vmem>>, vector<16xf32>,
        tpu.vector_store %arg11[%swap3A_303, %swap3A_304], %mul3A_302 {add = true, strides = array<i32>} : memref<128x64xf32, #tpu.memory_space<vmem>>, vector<16xf32>,
        %get3A_306 = arith.index_cast %add3A_291 : i32 to index
        %get3A_307 = arith.constant 32 : index
        %get3A_308 = tpu.vector_load %arg10[%get3A_306, %get3A_307] {strides = array<i32>} : memref<128x64xf32, #tpu.memory_space<vmem>>, vector<16xf32>,
        %mul3A_309 = arith.mulf %get3A_308, %get3A_174 : vector<16xf32>
        %swap3A_310 = arith.index_cast %add3A_291 : i32 to index
        %swap3A_311 = arith.constant 32 : index
        %swap3A_312 = tpu.vector_load %arg11[%swap3A_310, %swap3A_311] {strides = array<i32>} : memref<128x64xf32, #tpu.memory_space<vmem>>, vector<16xf32>,
        tpu.vector_store %arg11[%swap3A_310, %swap3A_311], %mul3A_309 {add = true, strides = array<i32>} : memref<128x64xf32, #tpu.memory_space<vmem>>, vector<16xf32>,
        %get3A_313 = arith.index_cast %add3A_291 : i32 to index
        %get3A_314 = arith.constant 48 : index
        %get3A_315 = tpu.vector_load %arg10[%get3A_313, %get3A_314] {strides = array<i32>} : memref<128x64xf32, #tpu.memory_space<vmem>>, vector<16xf32>,
        %mul3A_316 = arith.mulf %get3A_315, %get3A_177 : vector<16xf32>
        %swap3A_317 = arith.index_cast %add3A_291 : i32 to index
        %swap3A_318 = arith.constant 48 : index
        %swap3A_319 = tpu.vector_load %arg11[%swap3A_317, %swap3A_318] {strides = array<i32>} : memref<128x64xf32, #tpu.memory_space<vmem>>, vector<16xf32>,
        tpu.vector_store %arg11[%swap3A_317, %swap3A_318], %mul3A_316 {add = true, strides = array<i32>} : memref<128x64xf32, #tpu.memory_space<vmem>>, vector<16xf32>,
      }
      %scan3A_183 = arith.constant 32 : i32
      %add3A_184 = arith.constant 3 : i32
      %add3A_185 = arith.addi %mul3A_123, %add3A_184 : i32
      %dma_start3A_186 = arith.constant 0 : i32
      %dma_start3A_187 = tpu.memref_slice %arg7[%add3A_185, %dma_start3A_186] : memref<200x128xi32, #tpu.memory_space<vmem>> -> memref<1x128xi32, #tpu.memory_space<vmem>>
      %dma_start3A_188 = tpu.memref_squeeze %dma_start3A_187 : memref<1x128xi32, #tpu.memory_space<vmem>> -> memref<128xi32, #tpu.memory_space<vmem>>
      %dma_start3A_189 = arith.constant 0 : i32
      %dma_start3A_190 = arith.constant 0 : i32
      %dma_start3A_191 = tpu.memref_slice %arg3[%dma_start3A_189, %dma_start3A_190] : memref<1000000x64xf32, #tpu.memory_space<hbm>> -> memref<1000000x64xf32, #tpu.memory_space<hbm>>
      tpu.enqueue_indirect_dma source(%dma_start3A_191 : memref<1000000x64xf32, #tpu.memory_space<hbm>>) target(%arg10 : memref<128x64xf32, #tpu.memory_space<vmem>>) offsets(%dma_start3A_188 : memref<128xi32, #tpu.memory_space<vmem>>) semaphore(%arg13 : memref<!tpu.dma_semaphore, #tpu.memory_space<semaphore_mem>>)
    }
    %scan3A_64 = arith.constant 99 : i32
    %dma_wait3A = arith.constant 0 : i32
    %dma_wait3A_65 = arith.constant 0 : i32
    %dma_wait3A_66 = tpu.memref_slice %arg7[%dma_wait3A, %dma_wait3A_65] : memref<200x128xi32, #tpu.memory_space<vmem>> -> memref<1x128xi32, #tpu.memory_space<vmem>>
    %dma_wait3A_67 = tpu.memref_squeeze %dma_wait3A_66 : memref<1x128xi32, #tpu.memory_space<vmem>> -> memref<128xi32, #tpu.memory_space<vmem>>
    %dma_wait3A_68 = arith.constant 0 : i32
    %dma_wait3A_69 = arith.constant 0 : i32
    %dma_wait3A_70 = tpu.memref_slice %arg3[%dma_wait3A_68, %dma_wait3A_69] : memref<1000000x64xf32, #tpu.memory_space<hbm>> -> memref<1000000x64xf32, #tpu.memory_space<hbm>>
    tpu.wait_indirect_dma semaphore(%arg12 : memref<!tpu.dma_semaphore, #tpu.memory_space<semaphore_mem>>) src(%dma_wait3A_70 : memref<1000000x64xf32, #tpu.memory_space<hbm>>) dst(%arg9 : memref<128x64xf32, #tpu.memory_space<vmem>>)
    %get3A = arith.constant 198 : i32
    %get3A_71 = arith.index_cast %get3A : i32 to index
    %get3A_72 = arith.constant 0 : index
    %get3A_73 = tpu.vector_load %arg8[%get3A_71, %get3A_72] {strides = array<i32>} : memref<200x64xf32, #tpu.memory_space<vmem>>, vector<16xf32>,
    %get3A_74 = arith.constant 198 : i32
    %get3A_75 = arith.index_cast %get3A_74 : i32 to index
    %get3A_76 = arith.constant 16 : index
    %get3A_77 = tpu.vector_load %arg8[%get3A_75, %get3A_76] {strides = array<i32>} : memref<200x64xf32, #tpu.memory_space<vmem>>, vector<16xf32>,
    %get3A_78 = arith.constant 198 : i32
    %get3A_79 = arith.index_cast %get3A_78 : i32 to index
    %get3A_80 = arith.constant 32 : index
    %get3A_81 = tpu.vector_load %arg8[%get3A_79, %get3A_80] {strides = array<i32>} : memref<200x64xf32, #tpu.memory_space<vmem>>, vector<16xf32>,
    %get3A_82 = arith.constant 198 : i32
    %get3A_83 = arith.index_cast %get3A_82 : i32 to index
    %get3A_84 = arith.constant 48 : index
    %get3A_85 = tpu.vector_load %arg8[%get3A_83, %get3A_84] {strides = array<i32>} : memref<200x64xf32, #tpu.memory_space<vmem>>, vector<16xf32>,
    %scan3A_86 = arith.constant 0 : i32
    %scan3A_87 = arith.constant 0 : i32
    %scan3A_88 = arith.constant 32 : i32
    %scan3A_89 = arith.addi %scan3A_87, %scan3A_88 : i32
    %scan3A_90 = arith.constant 1 : i32
    scf.for %scan3A_121 = %scan3A_87 to %scan3A_89 step %scan3A_90  : i32 {
      %mul3A_122 = arith.constant 4 : i32
      %mul3A_123 = arith.muli %scan3A_121, %mul3A_122 : i32
      %add3A_124 = arith.constant 0 : i32
      %add3A_125 = arith.addi %mul3A_123, %add3A_124 : i32
      %get3A_126 = arith.index_cast %add3A_125 : i32 to index
      %get3A_127 = arith.constant 0 : index
      %get3A_128 = tpu.vector_load %arg9[%get3A_126, %get3A_127] {strides = array<i32>} : memref<128x64xf32, #tpu.memory_space<vmem>>, vector<16xf32>,
      %mul3A_129 = arith.mulf %get3A_128, %get3A_73 : vector<16xf32>
      %swap3A = arith.index_cast %add3A_125 : i32 to index
      %swap3A_130 = arith.constant 0 : index
      %swap3A_131 = tpu.vector_load %arg11[%swap3A, %swap3A_130] {strides = array<i32>} : memref<128x64xf32, #tpu.memory_space<vmem>>, vector<16xf32>,
      tpu.vector_store %arg11[%swap3A, %swap3A_130], %mul3A_129 {add = true, strides = array<i32>} : memref<128x64xf32, #tpu.memory_space<vmem>>, vector<16xf32>,
      %get3A_132 = arith.index_cast %add3A_125 : i32 to index
      %get3A_133 = arith.constant 16 : index
      %get3A_134 = tpu.vector_load %arg9[%get3A_132, %get3A_133] {strides = array<i32>} : memref<128x64xf32, #tpu.memory_space<vmem>>, vector<16xf32>,
      %mul3A_135 = arith.mulf %get3A_134, %get3A_77 : vector<16xf32>
      %swap3A_136 = arith.index_cast %add3A_125 : i32 to index
      %swap3A_137 = arith.constant 16 : index
      %swap3A_138 = tpu.vector_load %arg11[%swap3A_136, %swap3A_137] {strides = array<i32>} : memref<128x64xf32, #tpu.memory_space<vmem>>, vector<16xf32>,
      tpu.vector_store %arg11[%swap3A_136, %swap3A_137], %mul3A_135 {add = true, strides = array<i32>} : memref<128x64xf32, #tpu.memory_space<vmem>>, vector<16xf32>,
      %get3A_139 = arith.index_cast %add3A_125 : i32 to index
      %get3A_140 = arith.constant 32 : index
      %get3A_141 = tpu.vector_load %arg9[%get3A_139, %get3A_140] {strides = array<i32>} : memref<128x64xf32, #tpu.memory_space<vmem>>, vector<16xf32>,
      %mul3A_142 = arith.mulf %get3A_141, %get3A_81 : vector<16xf32>
      %swap3A_143 = arith.index_cast %add3A_125 : i32 to index
      %swap3A_144 = arith.constant 32 : index
      %swap3A_145 = tpu.vector_load %arg11[%swap3A_143, %swap3A_144] {strides = array<i32>} : memref<128x64xf32, #tpu.memory_space<vmem>>, vector<16xf32>,
      tpu.vector_store %arg11[%swap3A_143, %swap3A_144], %mul3A_142 {add = true, strides = array<i32>} : memref<128x64xf32, #tpu.memory_space<vmem>>, vector<16xf32>,
      %get3A_146 = arith.index_cast %add3A_125 : i32 to index
      %get3A_147 = arith.constant 48 : index
      %get3A_148 = tpu.vector_load %arg9[%get3A_146, %get3A_147] {strides = array<i32>} : memref<128x64xf32, #tpu.memory_space<vmem>>, vector<16xf32>,
      %mul3A_149 = arith.mulf %get3A_148, %get3A_85 : vector<16xf32>
      %swap3A_150 = arith.index_cast %add3A_125 : i32 to index
      %swap3A_151 = arith.constant 48 : index
      %swap3A_152 = tpu.vector_load %arg11[%swap3A_150, %swap3A_151] {strides = array<i32>} : memref<128x64xf32, #tpu.memory_space<vmem>>, vector<16xf32>,
      tpu.vector_store %arg11[%swap3A_150, %swap3A_151], %mul3A_149 {add = true, strides = array<i32>} : memref<128x64xf32, #tpu.memory_space<vmem>>, vector<16xf32>,
      %mul3A_153 = arith.constant 4 : i32
      %mul3A_154 = arith.muli %scan3A_121, %mul3A_153 : i32
      %add3A_155 = arith.constant 1 : i32
      %add3A_156 = arith.addi %mul3A_154, %add3A_155 : i32
      %get3A_157 = arith.index_cast %add3A_156 : i32 to index
      %get3A_158 = arith.constant 0 : index
      %get3A_159 = tpu.vector_load %arg9[%get3A_157, %get3A_158] {strides = array<i32>} : memref<128x64xf32, #tpu.memory_space<vmem>>, vector<16xf32>,
      %mul3A_160 = arith.mulf %get3A_159, %get3A_73 : vector<16xf32>
      %swap3A_161 = arith.index_cast %add3A_156 : i32 to index
      %swap3A_162 = arith.constant 0 : index
      %swap3A_163 = tpu.vector_load %arg11[%swap3A_161, %swap3A_162] {strides = array<i32>} : memref<128x64xf32, #tpu.memory_space<vmem>>, vector<16xf32>,
      tpu.vector_store %arg11[%swap3A_161, %swap3A_162], %mul3A_160 {add = true, strides = array<i32>} : memref<128x64xf32, #tpu.memory_space<vmem>>, vector<16xf32>,
      %get3A_164 = arith.index_cast %add3A_156 : i32 to index
      %get3A_165 = arith.constant 16 : index
      %get3A_166 = tpu.vector_load %arg9[%get3A_164, %get3A_165] {strides = array<i32>} : memref<128x64xf32, #tpu.memory_space<vmem>>, vector<16xf32>,
      %mul3A_167 = arith.mulf %get3A_166, %get3A_77 : vector<16xf32>
      %swap3A_168 = arith.index_cast %add3A_156 : i32 to index
      %swap3A_169 = arith.constant 16 : index
      %swap3A_170 = tpu.vector_load %arg11[%swap3A_168, %swap3A_169] {strides = array<i32>} : memref<128x64xf32, #tpu.memory_space<vmem>>, vector<16xf32>,
      tpu.vector_store %arg11[%swap3A_168, %swap3A_169], %mul3A_167 {add = true, strides = array<i32>} : memref<128x64xf32, #tpu.memory_space<vmem>>, vector<16xf32>,
      %get3A_171 = arith.index_cast %add3A_156 : i32 to index
      %get3A_172 = arith.constant 32 : index
      %get3A_173 = tpu.vector_load %arg9[%get3A_171, %get3A_172] {strides = array<i32>} : memref<128x64xf32, #tpu.memory_space<vmem>>, vector<16xf32>,
      %mul3A_174 = arith.mulf %get3A_173, %get3A_81 : vector<16xf32>
      %swap3A_175 = arith.index_cast %add3A_156 : i32 to index
      %swap3A_176 = arith.constant 32 : index
      %swap3A_177 = tpu.vector_load %arg11[%swap3A_175, %swap3A_176] {strides = array<i32>} : memref<128x64xf32, #tpu.memory_space<vmem>>, vector<16xf32>,
      tpu.vector_store %arg11[%swap3A_175, %swap3A_176], %mul3A_174 {add = true, strides = array<i32>} : memref<128x64xf32, #tpu.memory_space<vmem>>, vector<16xf32>,
      %get3A_178 = arith.index_cast %add3A_156 : i32 to index
      %get3A_179 = arith.constant 48 : index
      %get3A_180 = tpu.vector_load %arg9[%get3A_178, %get3A_179] {strides = array<i32>} : memref<128x64xf32, #tpu.memory_space<vmem>>, vector<16xf32>,
      %mul3A_181 = arith.mulf %get3A_180, %get3A_85 : vector<16xf32>
      %swap3A_182 = arith.index_cast %add3A_156 : i32 to index
      %swap3A_183 = arith.constant 48 : index
      %swap3A_184 = tpu.vector_load %arg11[%swap3A_182, %swap3A_183] {strides = array<i32>} : memref<128x64xf32, #tpu.memory_space<vmem>>, vector<16xf32>,
      tpu.vector_store %arg11[%swap3A_182, %swap3A_183], %mul3A_181 {add = true, strides = array<i32>} : memref<128x64xf32, #tpu.memory_space<vmem>>, vector<16xf32>,
      %mul3A_185 = arith.constant 4 : i32
      %mul3A_186 = arith.muli %scan3A_121, %mul3A_185 : i32
      %add3A_187 = arith.constant 2 : i32
      %add3A_188 = arith.addi %mul3A_186, %add3A_187 : i32
      %get3A_189 = arith.index_cast %add3A_188 : i32 to index
      %get3A_190 = arith.constant 0 : index
      %get3A_191 = tpu.vector_load %arg9[%get3A_189, %get3A_190] {strides = array<i32>} : memref<128x64xf32, #tpu.memory_space<vmem>>, vector<16xf32>,
      %mul3A_192 = arith.mulf %get3A_191, %get3A_73 : vector<16xf32>
      %swap3A_193 = arith.index_cast %add3A_188 : i32 to index
      %swap3A_194 = arith.constant 0 : index
      %swap3A_195 = tpu.vector_load %arg11[%swap3A_193, %swap3A_194] {strides = array<i32>} : memref<128x64xf32, #tpu.memory_space<vmem>>, vector<16xf32>,
      tpu.vector_store %arg11[%swap3A_193, %swap3A_194], %mul3A_192 {add = true, strides = array<i32>} : memref<128x64xf32, #tpu.memory_space<vmem>>, vector<16xf32>,
      %get3A_196 = arith.index_cast %add3A_188 : i32 to index
      %get3A_197 = arith.constant 16 : index
      %get3A_198 = tpu.vector_load %arg9[%get3A_196, %get3A_197] {strides = array<i32>} : memref<128x64xf32, #tpu.memory_space<vmem>>, vector<16xf32>,
      %mul3A_199 = arith.mulf %get3A_198, %get3A_77 : vector<16xf32>
      %swap3A_200 = arith.index_cast %add3A_188 : i32 to index
      %swap3A_201 = arith.constant 16 : index
      %swap3A_202 = tpu.vector_load %arg11[%swap3A_200, %swap3A_201] {strides = array<i32>} : memref<128x64xf32, #tpu.memory_space<vmem>>, vector<16xf32>,
      tpu.vector_store %arg11[%swap3A_200, %swap3A_201], %mul3A_199 {add = true, strides = array<i32>} : memref<128x64xf32, #tpu.memory_space<vmem>>, vector<16xf32>,
      %get3A_203 = arith.index_cast %add3A_188 : i32 to index
      %get3A_204 = arith.constant 32 : index
      %get3A_205 = tpu.vector_load %arg9[%get3A_203, %get3A_204] {strides = array<i32>} : memref<128x64xf32, #tpu.memory_space<vmem>>, vector<16xf32>,
      %mul3A_206 = arith.mulf %get3A_205, %get3A_81 : vector<16xf32>
      %swap3A_207 = arith.index_cast %add3A_188 : i32 to index
      %swap3A_208 = arith.constant 32 : index
      %swap3A_209 = tpu.vector_load %arg11[%swap3A_207, %swap3A_208] {strides = array<i32>} : memref<128x64xf32, #tpu.memory_space<vmem>>, vector<16xf32>,
      tpu.vector_store %arg11[%swap3A_207, %swap3A_208], %mul3A_206 {add = true, strides = array<i32>} : memref<128x64xf32, #tpu.memory_space<vmem>>, vector<16xf32>,
      %get3A_210 = arith.index_cast %add3A_188 : i32 to index
      %get3A_211 = arith.constant 48 : index
      %get3A_212 = tpu.vector_load %arg9[%get3A_210, %get3A_211] {strides = array<i32>} : memref<128x64xf32, #tpu.memory_space<vmem>>, vector<16xf32>,
      %mul3A_213 = arith.mulf %get3A_212, %get3A_85 : vector<16xf32>
      %swap3A_214 = arith.index_cast %add3A_188 : i32 to index
      %swap3A_215 = arith.constant 48 : index
      %swap3A_216 = tpu.vector_load %arg11[%swap3A_214, %swap3A_215] {strides = array<i32>} : memref<128x64xf32, #tpu.memory_space<vmem>>, vector<16xf32>,
      tpu.vector_store %arg11[%swap3A_214, %swap3A_215], %mul3A_213 {add = true, strides = array<i32>} : memref<128x64xf32, #tpu.memory_space<vmem>>, vector<16xf32>,
      %mul3A_217 = arith.constant 4 : i32
      %mul3A_218 = arith.muli %scan3A_121, %mul3A_217 : i32
      %add3A_219 = arith.constant 3 : i32
      %add3A_220 = arith.addi %mul3A_218, %add3A_219 : i32
      %get3A_221 = arith.index_cast %add3A_220 : i32 to index
      %get3A_222 = arith.constant 0 : index
      %get3A_223 = tpu.vector_load %arg9[%get3A_221, %get3A_222] {strides = array<i32>} : memref<128x64xf32, #tpu.memory_space<vmem>>, vector<16xf32>,
      %mul3A_224 = arith.mulf %get3A_223, %get3A_73 : vector<16xf32>
      %swap3A_225 = arith.index_cast %add3A_220 : i32 to index
      %swap3A_226 = arith.constant 0 : index
      %swap3A_227 = tpu.vector_load %arg11[%swap3A_225, %swap3A_226] {strides = array<i32>} : memref<128x64xf32, #tpu.memory_space<vmem>>, vector<16xf32>,
      tpu.vector_store %arg11[%swap3A_225, %swap3A_226], %mul3A_224 {add = true, strides = array<i32>} : memref<128x64xf32, #tpu.memory_space<vmem>>, vector<16xf32>,
      %get3A_228 = arith.index_cast %add3A_220 : i32 to index
      %get3A_229 = arith.constant 16 : index
      %get3A_230 = tpu.vector_load %arg9[%get3A_228, %get3A_229] {strides = array<i32>} : memref<128x64xf32, #tpu.memory_space<vmem>>, vector<16xf32>,
      %mul3A_231 = arith.mulf %get3A_230, %get3A_77 : vector<16xf32>
      %swap3A_232 = arith.index_cast %add3A_220 : i32 to index
      %swap3A_233 = arith.constant 16 : index
      %swap3A_234 = tpu.vector_load %arg11[%swap3A_232, %swap3A_233] {strides = array<i32>} : memref<128x64xf32, #tpu.memory_space<vmem>>, vector<16xf32>,
      tpu.vector_store %arg11[%swap3A_232, %swap3A_233], %mul3A_231 {add = true, strides = array<i32>} : memref<128x64xf32, #tpu.memory_space<vmem>>, vector<16xf32>,
      %get3A_235 = arith.index_cast %add3A_220 : i32 to index
      %get3A_236 = arith.constant 32 : index
      %get3A_237 = tpu.vector_load %arg9[%get3A_235, %get3A_236] {strides = array<i32>} : memref<128x64xf32, #tpu.memory_space<vmem>>, vector<16xf32>,
      %mul3A_238 = arith.mulf %get3A_237, %get3A_81 : vector<16xf32>
      %swap3A_239 = arith.index_cast %add3A_220 : i32 to index
      %swap3A_240 = arith.constant 32 : index
      %swap3A_241 = tpu.vector_load %arg11[%swap3A_239, %swap3A_240] {strides = array<i32>} : memref<128x64xf32, #tpu.memory_space<vmem>>, vector<16xf32>,
      tpu.vector_store %arg11[%swap3A_239, %swap3A_240], %mul3A_238 {add = true, strides = array<i32>} : memref<128x64xf32, #tpu.memory_space<vmem>>, vector<16xf32>,
      %get3A_242 = arith.index_cast %add3A_220 : i32 to index
      %get3A_243 = arith.constant 48 : index
      %get3A_244 = tpu.vector_load %arg9[%get3A_242, %get3A_243] {strides = array<i32>} : memref<128x64xf32, #tpu.memory_space<vmem>>, vector<16xf32>,
      %mul3A_245 = arith.mulf %get3A_244, %get3A_85 : vector<16xf32>
      %swap3A_246 = arith.index_cast %add3A_220 : i32 to index
      %swap3A_247 = arith.constant 48 : index
      %swap3A_248 = tpu.vector_load %arg11[%swap3A_246, %swap3A_247] {strides = array<i32>} : memref<128x64xf32, #tpu.memory_space<vmem>>, vector<16xf32>,
      tpu.vector_store %arg11[%swap3A_246, %swap3A_247], %mul3A_245 {add = true, strides = array<i32>} : memref<128x64xf32, #tpu.memory_space<vmem>>, vector<16xf32>,
    }
    %scan3A_91 = arith.constant 32 : i32
    %dma_wait3A_92 = arith.constant 0 : i32
    %dma_wait3A_93 = arith.constant 0 : i32
    %dma_wait3A_94 = tpu.memref_slice %arg7[%dma_wait3A_92, %dma_wait3A_93] : memref<200x128xi32, #tpu.memory_space<vmem>> -> memref<1x128xi32, #tpu.memory_space<vmem>>
    %dma_wait3A_95 = tpu.memref_squeeze %dma_wait3A_94 : memref<1x128xi32, #tpu.memory_space<vmem>> -> memref<128xi32, #tpu.memory_space<vmem>>
    %dma_wait3A_96 = arith.constant 0 : i32
    %dma_wait3A_97 = arith.constant 0 : i32
    %dma_wait3A_98 = tpu.memref_slice %arg3[%dma_wait3A_96, %dma_wait3A_97] : memref<1000000x64xf32, #tpu.memory_space<hbm>> -> memref<1000000x64xf32, #tpu.memory_space<hbm>>
    tpu.wait_indirect_dma semaphore(%arg13 : memref<!tpu.dma_semaphore, #tpu.memory_space<semaphore_mem>>) src(%dma_wait3A_98 : memref<1000000x64xf32, #tpu.memory_space<hbm>>) dst(%arg10 : memref<128x64xf32, #tpu.memory_space<vmem>>)
    %get3A_99 = arith.constant 199 : i32
    %get3A_100 = arith.index_cast %get3A_99 : i32 to index
    %get3A_101 = arith.constant 0 : index
    %get3A_102 = tpu.vector_load %arg8[%get3A_100, %get3A_101] {strides = array<i32>} : memref<200x64xf32, #tpu.memory_space<vmem>>, vector<16xf32>,
    %get3A_103 = arith.constant 199 : i32
    %get3A_104 = arith.index_cast %get3A_103 : i32 to index
    %get3A_105 = arith.constant 16 : index
    %get3A_106 = tpu.vector_load %arg8[%get3A_104, %get3A_105] {strides = array<i32>} : memref<200x64xf32, #tpu.memory_space<vmem>>, vector<16xf32>,
    %get3A_107 = arith.constant 199 : i32
    %get3A_108 = arith.index_cast %get3A_107 : i32 to index
    %get3A_109 = arith.constant 32 : index
    %get3A_110 = tpu.vector_load %arg8[%get3A_108, %get3A_109] {strides = array<i32>} : memref<200x64xf32, #tpu.memory_space<vmem>>, vector<16xf32>,
    %get3A_111 = arith.constant 199 : i32
    %get3A_112 = arith.index_cast %get3A_111 : i32 to index
    %get3A_113 = arith.constant 48 : index
    %get3A_114 = tpu.vector_load %arg8[%get3A_112, %get3A_113] {strides = array<i32>} : memref<200x64xf32, #tpu.memory_space<vmem>>, vector<16xf32>,
    %scan3A_115 = arith.constant 0 : i32
    %scan3A_116 = arith.constant 0 : i32
    %scan3A_117 = arith.constant 32 : i32
    %scan3A_118 = arith.addi %scan3A_116, %scan3A_117 : i32
    %scan3A_119 = arith.constant 1 : i32
    scf.for %scan3A_121 = %scan3A_116 to %scan3A_118 step %scan3A_119  : i32 {
      %mul3A_122 = arith.constant 4 : i32
      %mul3A_123 = arith.muli %scan3A_121, %mul3A_122 : i32
      %add3A_124 = arith.constant 0 : i32
      %add3A_125 = arith.addi %mul3A_123, %add3A_124 : i32
      %get3A_126 = arith.index_cast %add3A_125 : i32 to index
      %get3A_127 = arith.constant 0 : index
      %get3A_128 = tpu.vector_load %arg10[%get3A_126, %get3A_127] {strides = array<i32>} : memref<128x64xf32, #tpu.memory_space<vmem>>, vector<16xf32>,
      %mul3A_129 = arith.mulf %get3A_128, %get3A_102 : vector<16xf32>
      %swap3A = arith.index_cast %add3A_125 : i32 to index
      %swap3A_130 = arith.constant 0 : index
      %swap3A_131 = tpu.vector_load %arg11[%swap3A, %swap3A_130] {strides = array<i32>} : memref<128x64xf32, #tpu.memory_space<vmem>>, vector<16xf32>,
      tpu.vector_store %arg11[%swap3A, %swap3A_130], %mul3A_129 {add = true, strides = array<i32>} : memref<128x64xf32, #tpu.memory_space<vmem>>, vector<16xf32>,
      %get3A_132 = arith.index_cast %add3A_125 : i32 to index
      %get3A_133 = arith.constant 16 : index
      %get3A_134 = tpu.vector_load %arg10[%get3A_132, %get3A_133] {strides = array<i32>} : memref<128x64xf32, #tpu.memory_space<vmem>>, vector<16xf32>,
      %mul3A_135 = arith.mulf %get3A_134, %get3A_106 : vector<16xf32>
      %swap3A_136 = arith.index_cast %add3A_125 : i32 to index
      %swap3A_137 = arith.constant 16 : index
      %swap3A_138 = tpu.vector_load %arg11[%swap3A_136, %swap3A_137] {strides = array<i32>} : memref<128x64xf32, #tpu.memory_space<vmem>>, vector<16xf32>,
      tpu.vector_store %arg11[%swap3A_136, %swap3A_137], %mul3A_135 {add = true, strides = array<i32>} : memref<128x64xf32, #tpu.memory_space<vmem>>, vector<16xf32>,
      %get3A_139 = arith.index_cast %add3A_125 : i32 to index
      %get3A_140 = arith.constant 32 : index
      %get3A_141 = tpu.vector_load %arg10[%get3A_139, %get3A_140] {strides = array<i32>} : memref<128x64xf32, #tpu.memory_space<vmem>>, vector<16xf32>,
      %mul3A_142 = arith.mulf %get3A_141, %get3A_110 : vector<16xf32>
      %swap3A_143 = arith.index_cast %add3A_125 : i32 to index
      %swap3A_144 = arith.constant 32 : index
      %swap3A_145 = tpu.vector_load %arg11[%swap3A_143, %swap3A_144] {strides = array<i32>} : memref<128x64xf32, #tpu.memory_space<vmem>>, vector<16xf32>,
      tpu.vector_store %arg11[%swap3A_143, %swap3A_144], %mul3A_142 {add = true, strides = array<i32>} : memref<128x64xf32, #tpu.memory_space<vmem>>, vector<16xf32>,
      %get3A_146 = arith.index_cast %add3A_125 : i32 to index
      %get3A_147 = arith.constant 48 : index
      %get3A_148 = tpu.vector_load %arg10[%get3A_146, %get3A_147] {strides = array<i32>} : memref<128x64xf32, #tpu.memory_space<vmem>>, vector<16xf32>,
      %mul3A_149 = arith.mulf %get3A_148, %get3A_114 : vector<16xf32>
      %swap3A_150 = arith.index_cast %add3A_125 : i32 to index
      %swap3A_151 = arith.constant 48 : index
      %swap3A_152 = tpu.vector_load %arg11[%swap3A_150, %swap3A_151] {strides = array<i32>} : memref<128x64xf32, #tpu.memory_space<vmem>>, vector<16xf32>,
      tpu.vector_store %arg11[%swap3A_150, %swap3A_151], %mul3A_149 {add = true, strides = array<i32>} : memref<128x64xf32, #tpu.memory_space<vmem>>, vector<16xf32>,
      %mul3A_153 = arith.constant 4 : i32
      %mul3A_154 = arith.muli %scan3A_121, %mul3A_153 : i32
      %add3A_155 = arith.constant 1 : i32
      %add3A_156 = arith.addi %mul3A_154, %add3A_155 : i32
      %get3A_157 = arith.index_cast %add3A_156 : i32 to index
      %get3A_158 = arith.constant 0 : index
      %get3A_159 = tpu.vector_load %arg10[%get3A_157, %get3A_158] {strides = array<i32>} : memref<128x64xf32, #tpu.memory_space<vmem>>, vector<16xf32>,
      %mul3A_160 = arith.mulf %get3A_159, %get3A_102 : vector<16xf32>
      %swap3A_161 = arith.index_cast %add3A_156 : i32 to index
      %swap3A_162 = arith.constant 0 : index
      %swap3A_163 = tpu.vector_load %arg11[%swap3A_161, %swap3A_162] {strides = array<i32>} : memref<128x64xf32, #tpu.memory_space<vmem>>, vector<16xf32>,
      tpu.vector_store %arg11[%swap3A_161, %swap3A_162], %mul3A_160 {add = true, strides = array<i32>} : memref<128x64xf32, #tpu.memory_space<vmem>>, vector<16xf32>,
      %get3A_164 = arith.index_cast %add3A_156 : i32 to index
      %get3A_165 = arith.constant 16 : index
      %get3A_166 = tpu.vector_load %arg10[%get3A_164, %get3A_165] {strides = array<i32>} : memref<128x64xf32, #tpu.memory_space<vmem>>, vector<16xf32>,
      %mul3A_167 = arith.mulf %get3A_166, %get3A_106 : vector<16xf32>
      %swap3A_168 = arith.index_cast %add3A_156 : i32 to index
      %swap3A_169 = arith.constant 16 : index
      %swap3A_170 = tpu.vector_load %arg11[%swap3A_168, %swap3A_169] {strides = array<i32>} : memref<128x64xf32, #tpu.memory_space<vmem>>, vector<16xf32>,
      tpu.vector_store %arg11[%swap3A_168, %swap3A_169], %mul3A_167 {add = true, strides = array<i32>} : memref<128x64xf32, #tpu.memory_space<vmem>>, vector<16xf32>,
      %get3A_171 = arith.index_cast %add3A_156 : i32 to index
      %get3A_172 = arith.constant 32 : index
      %get3A_173 = tpu.vector_load %arg10[%get3A_171, %get3A_172] {strides = array<i32>} : memref<128x64xf32, #tpu.memory_space<vmem>>, vector<16xf32>,
      %mul3A_174 = arith.mulf %get3A_173, %get3A_110 : vector<16xf32>
      %swap3A_175 = arith.index_cast %add3A_156 : i32 to index
      %swap3A_176 = arith.constant 32 : index
      %swap3A_177 = tpu.vector_load %arg11[%swap3A_175, %swap3A_176] {strides = array<i32>} : memref<128x64xf32, #tpu.memory_space<vmem>>, vector<16xf32>,
      tpu.vector_store %arg11[%swap3A_175, %swap3A_176], %mul3A_174 {add = true, strides = array<i32>} : memref<128x64xf32, #tpu.memory_space<vmem>>, vector<16xf32>,
      %get3A_178 = arith.index_cast %add3A_156 : i32 to index
      %get3A_179 = arith.constant 48 : index
      %get3A_180 = tpu.vector_load %arg10[%get3A_178, %get3A_179] {strides = array<i32>} : memref<128x64xf32, #tpu.memory_space<vmem>>, vector<16xf32>,
      %mul3A_181 = arith.mulf %get3A_180, %get3A_114 : vector<16xf32>
      %swap3A_182 = arith.index_cast %add3A_156 : i32 to index
      %swap3A_183 = arith.constant 48 : index
      %swap3A_184 = tpu.vector_load %arg11[%swap3A_182, %swap3A_183] {strides = array<i32>} : memref<128x64xf32, #tpu.memory_space<vmem>>, vector<16xf32>,
      tpu.vector_store %arg11[%swap3A_182, %swap3A_183], %mul3A_181 {add = true, strides = array<i32>} : memref<128x64xf32, #tpu.memory_space<vmem>>, vector<16xf32>,
      %mul3A_185 = arith.constant 4 : i32
      %mul3A_186 = arith.muli %scan3A_121, %mul3A_185 : i32
      %add3A_187 = arith.constant 2 : i32
      %add3A_188 = arith.addi %mul3A_186, %add3A_187 : i32
      %get3A_189 = arith.index_cast %add3A_188 : i32 to index
      %get3A_190 = arith.constant 0 : index
      %get3A_191 = tpu.vector_load %arg10[%get3A_189, %get3A_190] {strides = array<i32>} : memref<128x64xf32, #tpu.memory_space<vmem>>, vector<16xf32>,
      %mul3A_192 = arith.mulf %get3A_191, %get3A_102 : vector<16xf32>
      %swap3A_193 = arith.index_cast %add3A_188 : i32 to index
      %swap3A_194 = arith.constant 0 : index
      %swap3A_195 = tpu.vector_load %arg11[%swap3A_193, %swap3A_194] {strides = array<i32>} : memref<128x64xf32, #tpu.memory_space<vmem>>, vector<16xf32>,
      tpu.vector_store %arg11[%swap3A_193, %swap3A_194], %mul3A_192 {add = true, strides = array<i32>} : memref<128x64xf32, #tpu.memory_space<vmem>>, vector<16xf32>,
      %get3A_196 = arith.index_cast %add3A_188 : i32 to index
      %get3A_197 = arith.constant 16 : index
      %get3A_198 = tpu.vector_load %arg10[%get3A_196, %get3A_197] {strides = array<i32>} : memref<128x64xf32, #tpu.memory_space<vmem>>, vector<16xf32>,
      %mul3A_199 = arith.mulf %get3A_198, %get3A_106 : vector<16xf32>
      %swap3A_200 = arith.index_cast %add3A_188 : i32 to index
      %swap3A_201 = arith.constant 16 : index
      %swap3A_202 = tpu.vector_load %arg11[%swap3A_200, %swap3A_201] {strides = array<i32>} : memref<128x64xf32, #tpu.memory_space<vmem>>, vector<16xf32>,
      tpu.vector_store %arg11[%swap3A_200, %swap3A_201], %mul3A_199 {add = true, strides = array<i32>} : memref<128x64xf32, #tpu.memory_space<vmem>>, vector<16xf32>,
      %get3A_203 = arith.index_cast %add3A_188 : i32 to index
      %get3A_204 = arith.constant 32 : index
      %get3A_205 = tpu.vector_load %arg10[%get3A_203, %get3A_204] {strides = array<i32>} : memref<128x64xf32, #tpu.memory_space<vmem>>, vector<16xf32>,
      %mul3A_206 = arith.mulf %get3A_205, %get3A_110 : vector<16xf32>
      %swap3A_207 = arith.index_cast %add3A_188 : i32 to index
      %swap3A_208 = arith.constant 32 : index
      %swap3A_209 = tpu.vector_load %arg11[%swap3A_207, %swap3A_208] {strides = array<i32>} : memref<128x64xf32, #tpu.memory_space<vmem>>, vector<16xf32>,
      tpu.vector_store %arg11[%swap3A_207, %swap3A_208], %mul3A_206 {add = true, strides = array<i32>} : memref<128x64xf32, #tpu.memory_space<vmem>>, vector<16xf32>,
      %get3A_210 = arith.index_cast %add3A_188 : i32 to index
      %get3A_211 = arith.constant 48 : index
      %get3A_212 = tpu.vector_load %arg10[%get3A_210, %get3A_211] {strides = array<i32>} : memref<128x64xf32, #tpu.memory_space<vmem>>, vector<16xf32>,
      %mul3A_213 = arith.mulf %get3A_212, %get3A_114 : vector<16xf32>
      %swap3A_214 = arith.index_cast %add3A_188 : i32 to index
      %swap3A_215 = arith.constant 48 : index
      %swap3A_216 = tpu.vector_load %arg11[%swap3A_214, %swap3A_215] {strides = array<i32>} : memref<128x64xf32, #tpu.memory_space<vmem>>, vector<16xf32>,
      tpu.vector_store %arg11[%swap3A_214, %swap3A_215], %mul3A_213 {add = true, strides = array<i32>} : memref<128x64xf32, #tpu.memory_space<vmem>>, vector<16xf32>,
      %mul3A_217 = arith.constant 4 : i32
      %mul3A_218 = arith.muli %scan3A_121, %mul3A_217 : i32
      %add3A_219 = arith.constant 3 : i32
      %add3A_220 = arith.addi %mul3A_218, %add3A_219 : i32
      %get3A_221 = arith.index_cast %add3A_220 : i32 to index
      %get3A_222 = arith.constant 0 : index
      %get3A_223 = tpu.vector_load %arg10[%get3A_221, %get3A_222] {strides = array<i32>} : memref<128x64xf32, #tpu.memory_space<vmem>>, vector<16xf32>,
      %mul3A_224 = arith.mulf %get3A_223, %get3A_102 : vector<16xf32>
      %swap3A_225 = arith.index_cast %add3A_220 : i32 to index
      %swap3A_226 = arith.constant 0 : index
      %swap3A_227 = tpu.vector_load %arg11[%swap3A_225, %swap3A_226] {strides = array<i32>} : memref<128x64xf32, #tpu.memory_space<vmem>>, vector<16xf32>,
      tpu.vector_store %arg11[%swap3A_225, %swap3A_226], %mul3A_224 {add = true, strides = array<i32>} : memref<128x64xf32, #tpu.memory_space<vmem>>, vector<16xf32>,
      %get3A_228 = arith.index_cast %add3A_220 : i32 to index
      %get3A_229 = arith.constant 16 : index
      %get3A_230 = tpu.vector_load %arg10[%get3A_228, %get3A_229] {strides = array<i32>} : memref<128x64xf32, #tpu.memory_space<vmem>>, vector<16xf32>,
      %mul3A_231 = arith.mulf %get3A_230, %get3A_106 : vector<16xf32>
      %swap3A_232 = arith.index_cast %add3A_220 : i32 to index
      %swap3A_233 = arith.constant 16 : index
      %swap3A_234 = tpu.vector_load %arg11[%swap3A_232, %swap3A_233] {strides = array<i32>} : memref<128x64xf32, #tpu.memory_space<vmem>>, vector<16xf32>,
      tpu.vector_store %arg11[%swap3A_232, %swap3A_233], %mul3A_231 {add = true, strides = array<i32>} : memref<128x64xf32, #tpu.memory_space<vmem>>, vector<16xf32>,
      %get3A_235 = arith.index_cast %add3A_220 : i32 to index
      %get3A_236 = arith.constant 32 : index
      %get3A_237 = tpu.vector_load %arg10[%get3A_235, %get3A_236] {strides = array<i32>} : memref<128x64xf32, #tpu.memory_space<vmem>>, vector<16xf32>,
      %mul3A_238 = arith.mulf %get3A_237, %get3A_110 : vector<16xf32>
      %swap3A_239 = arith.index_cast %add3A_220 : i32 to index
      %swap3A_240 = arith.constant 32 : index
      %swap3A_241 = tpu.vector_load %arg11[%swap3A_239, %swap3A_240] {strides = array<i32>} : memref<128x64xf32, #tpu.memory_space<vmem>>, vector<16xf32>,
      tpu.vector_store %arg11[%swap3A_239, %swap3A_240], %mul3A_238 {add = true, strides = array<i32>} : memref<128x64xf32, #tpu.memory_space<vmem>>, vector<16xf32>,
      %get3A_242 = arith.index_cast %add3A_220 : i32 to index
      %get3A_243 = arith.constant 48 : index
      %get3A_244 = tpu.vector_load %arg10[%get3A_242, %get3A_243] {strides = array<i32>} : memref<128x64xf32, #tpu.memory_space<vmem>>, vector<16xf32>,
      %mul3A_245 = arith.mulf %get3A_244, %get3A_114 : vector<16xf32>
      %swap3A_246 = arith.index_cast %add3A_220 : i32 to index
      %swap3A_247 = arith.constant 48 : index
      %swap3A_248 = tpu.vector_load %arg11[%swap3A_246, %swap3A_247] {strides = array<i32>} : memref<128x64xf32, #tpu.memory_space<vmem>>, vector<16xf32>,
      tpu.vector_store %arg11[%swap3A_246, %swap3A_247], %mul3A_245 {add = true, strides = array<i32>} : memref<128x64xf32, #tpu.memory_space<vmem>>, vector<16xf32>,
    }
    %scan3A_120 = arith.constant 32 : i32
    "tpu.region"() ({
      %run_scoped3A = tpu.sem_alloc : memref<!tpu.dma_semaphore, #tpu.memory_space<semaphore_mem>>
      %dma_start3A_121 = arith.constant 0 : i32
      %dma_start3A_122 = tpu.memref_slice %arg5[%mul3A_2, %dma_start3A_121] : memref<4096x64xf32, #tpu.memory_space<hbm>> -> memref<128x64xf32, #tpu.memory_space<hbm>>
      %dma_start3A_123 = arith.constant 0 : i32
      %dma_start3A_124 = tpu.memref_slice %arg5[%mul3A_2, %dma_start3A_123] : memref<4096x64xf32, #tpu.memory_space<hbm>> -> memref<128x64xf32, #tpu.memory_space<hbm>>
      tpu.enqueue_dma source(%arg11 : memref<128x64xf32, #tpu.memory_space<vmem>>) target(%dma_start3A_124 : memref<128x64xf32, #tpu.memory_space<hbm>>) target_semaphore(%run_scoped3A : memref<!tpu.dma_semaphore, #tpu.memory_space<semaphore_mem>>)
      %dma_wait3A_125 = arith.constant 0 : i32
      %dma_wait3A_126 = tpu.memref_slice %arg5[%mul3A_2, %dma_wait3A_125] : memref<4096x64xf32, #tpu.memory_space<hbm>> -> memref<128x64xf32, #tpu.memory_space<hbm>>
      %dma_wait3A_127 = arith.constant 0 : i32
      %dma_wait3A_128 = tpu.memref_slice %arg5[%mul3A_2, %dma_wait3A_127] : memref<4096x64xf32, #tpu.memory_space<hbm>> -> memref<128x64xf32, #tpu.memory_space<hbm>>
      tpu.wait_dma2 semaphore(%run_scoped3A : memref<!tpu.dma_semaphore, #tpu.memory_space<semaphore_mem>>) src(%arg11 : memref<128x64xf32, #tpu.memory_space<vmem>>) dst(%dma_wait3A_128 : memref<128x64xf32, #tpu.memory_space<hbm>>)
      tpu.yield
    }) : () -> ()
    return
  }
}

</mosaic_0001>

<sc_bundles>
// kernel: kernel.3.cloned.1.call-start
scs
__scs_entry_jumppad:
0x0: {  	(pc) =	sbr.rel $0x88, $3  }
0x1: {  	(tag) =	ssettag $0x0;
	lr =	simm.s32 $0x1  }
0x2: {  	[smem:$0x3F9E] =	sst lr;
	_ =	strace $0xD0000000  }
0x3: {  	_ = 	snop  }
0x4: {  	_ = 	snop  }
0x5: {  	_ = 	snop  }
0x6: {  	_ = 	snop  }
0x7: {  	_ = 	snop  }
__scs_overlays_trampoline_lowered:
0x8: {  	[smem:$0x3FAD] =	sst s0  }
0x9: {  	[smem:$0x3FAE] =	sst s1  }
0xa: {  	[smem:$0x3FAF] =	sst s2  }
0xb: {  	[smem:$0x3FB0] =	sst s3  }
0xc: {  	[smem:$0x3FB1] =	sst s4  }
0xd: {  	[smem:$0x3FB2] =	sst s5  }
0xe: {  	[smem:$0x3FB3] =	sst s6  }
0xf: {  	[smem:$0x3FB4] =	sst s7  }
0x10: {  	[smem:$0x3FB5] =	sst s8  }
0x11: {  	[smem:$0x3FB6] =	sst s9;
	s0 =	simm.s32 @!p0 $0x0  }
0x12: {  	s1 =	sld [smem:$0x3F9C];
	s0 =	simm.s32 @p0 $0x1  }
0x13: {  	[smem:$0x3FB7] =	sst s0;
	s0 =	simm.s32 @!p1 $0x0  }
0x14: {  	s2 =	sld [smem:$0x3F9B];
	s0 =	simm.s32 @p1 $0x1  }
0x15: {  	[smem:$0x3FB8] =	sst s0;
	s0 =	simm.s32 @!p2 $0x0  }
0x16: {  	s3 =	sld [smem:$0x3FDB];
	s0 =	simm.s32 @p2 $0x1  }
0x17: {  	s4 =	simm.s32 $0x1BF5;
	[smem:$0x3FBA] =	sst s0  }
0x18: {  	s0 =	sld [smem:$0x3F9D];
	_ =	swait.ge [sflag:s4], $0x0  }
0x19: {  	s7 =	sld [smem:$0x3F9E]  }
0x1a: {  	s8 =	sadd.s32 $0xFFFFE003, lr  }
0x1b: {  	s9 =	sadd.s32 $0xFFFFFEF7, lr;
	s5 =	simm.s32 $0xFFFFFFFF;
	p2 =	slt.u32 s8, $0xFFFFF086  }
0x1c: {  	p1 =	slt.u32 s9, $0xF7A;
	s5 =	simm.s32 @!p2 $0x0  }
0x1d: {  	s5 =	simm.s32 @p1 $0x1;
	p0 =	seq.s32 s7, s2  }
0x1e: {  	s7 =	smul.u32 @!p0 $0xF7A, s2;
	p2 =	seq.s32 @!p0 s5, $0x0  }
0x1f: {  	s9 =	smul.u32 $0xF7A, s1;
	s8 =	simm.s32 @!p0 $0x1BF5;
	p2 =	por !p2, p0  }
0x20: {  	[sflag:s8] =	ssyncset.s32 @!p0 $0xFFFFF086;
	s6 =	sadd.s32 @!p0 s3, s7;
	s7 =	simm.s32 @!p0 $0x108  }
0x21: {  	s3 =	sadd.s32 s3, s9;
	s6 =	sadd.s32 @!p0 $0x88, s6;
	s7 =	simm.s32 @p2 $0x1082  }
0x22: {  	[simem:s7], [sflag:s8] =	dma.local @!p0 [hbm:s6], $0xF7A  }
0x23: {  	s9 =	sor.u32 $0xD0000000, s2;
	s6 =	simm.s32 $0x108;
	_ =	swait.ge @!p0 [sflag:s8], $0x0  }
0x24: {  	s3 =	sadd.s32 $0x88, s3;
	s6 =	simm.s32 @!p1 $0x1082;
	[sflag:s4] =	ssyncset.s32 $0xFFFFF086  }
0x25: {  	[simem:s6], [sflag:s4] =	dma.local [hbm:s3], $0xF7A  }
0x26: {  	[smem:$0x3F9E] =	sst s1;
	(tag) =	ssettag s2;
	_ =	strace s9  }
0x27: {  	s1 =	sld [smem:$0x3FAE]  }
0x28: {  	s2 =	sld [smem:$0x3FAF]  }
0x29: {  	s4 =	sld [smem:$0x3FB1]  }
0x2a: {  	p0 =	seq.s32 s5, $0x0;
	s5 =	sld [smem:$0x3FB2]  }
0x2b: {  	s6 =	sld [smem:$0x3FB3]  }
0x2c: {  	s7 =	sld [smem:$0x3FB4]  }
0x2d: {  	s3 =	simm.s32 $0x108;
	s8 =	sld [smem:$0x3FB5]  }
0x2e: {  	s3 =	simm.s32 @!p0 $0x1082;
	s9 =	sld [smem:$0x3FB6]  }
0x2f: {  	lr =	sadd.s32 s0, s3;
	s0 =	sld [smem:$0x3FAD]  }
0x30: {  	s3 =	sld [smem:$0x3FB0]  }
0x31: {  	[smem:$0x3FB9] =	sst s10  }
0x32: {  	s10 =	sld [smem:$0x3FB7];
	_ =	sdelay $0x3  }
0x33: {  	p0 =	seq.s32 s10, $0x1;
	s10 =	sld [smem:$0x3FB9];
	_ =	sdelay $0x3  }
0x34: {  	[smem:$0x3FB9] =	sst s10  }
0x35: {  	s10 =	sld [smem:$0x3FB8];
	_ =	sdelay $0x3  }
0x36: {  	p1 =	seq.s32 s10, $0x1;
	s10 =	sld [smem:$0x3FB9];
	_ =	sdelay $0x3  }
0x37: {  	[smem:$0x3FB9] =	sst s10  }
0x38: {  	s10 =	sld [smem:$0x3FBA]  }
0x39: {  	_ = 	snop;
	(pc) =	sbr.ind lr, $3  }
0x3a: {  	_ = 	snop  }
0x3b: {  	_ = 	snop  }
0x3c: {  	p2 =	seq.s32 s10, $0x1;
	s10 =	sld [smem:$0x3FB9]  }
0x3d: {  	_ =	shalt  }
0x3e: {  	_ =	shalt  }
0x3f: {  	_ =	shalt  }
0x40: {  	_ =	shalt  }
0x41: {  	_ =	shalt  }
0x42: {  	_ =	shalt  }
0x43: {  	_ =	shalt  }
0x44: {  	_ =	shalt  }
0x45: {  	_ =	shalt  }
0x46: {  	_ =	shalt  }
0x47: {  	_ =	shalt  }
0x48: {  	_ =	shalt  }
0x49: {  	_ =	shalt  }
0x4a: {  	_ =	shalt  }
0x4b: {  	_ =	shalt  }
0x4c: {  	_ =	shalt  }
0x4d: {  	_ =	shalt  }
0x4e: {  	_ =	shalt  }
0x4f: {  	_ =	shalt  }
0x50: {  	_ =	shalt  }
0x51: {  	_ =	shalt  }
0x52: {  	_ =	shalt  }
0x53: {  	_ =	shalt  }
0x54: {  	_ =	shalt  }
0x55: {  	_ =	shalt  }
0x56: {  	_ =	shalt  }
0x57: {  	_ =	shalt  }
0x58: {  	_ =	shalt  }
0x59: {  	_ =	shalt  }
0x5a: {  	_ =	shalt  }
0x5b: {  	_ =	shalt  }
0x5c: {  	_ =	shalt  }
0x5d: {  	_ =	shalt  }
0x5e: {  	_ =	shalt  }
0x5f: {  	_ =	shalt  }
0x60: {  	_ =	shalt  }
0x61: {  	_ =	shalt  }
0x62: {  	_ =	shalt  }
0x63: {  	_ =	shalt  }
0x64: {  	_ =	shalt  }
0x65: {  	_ =	shalt  }
0x66: {  	_ =	shalt  }
0x67: {  	_ =	shalt  }
0x68: {  	_ =	shalt  }
0x69: {  	_ =	shalt  }
0x6a: {  	_ =	shalt  }
0x6b: {  	_ =	shalt  }
0x6c: {  	_ =	shalt  }
0x6d: {  	_ =	shalt  }
0x6e: {  	_ =	shalt  }
0x6f: {  	_ =	shalt  }
0x70: {  	_ =	shalt  }
0x71: {  	_ =	shalt  }
0x72: {  	_ =	shalt  }
0x73: {  	_ =	shalt  }
0x74: {  	_ =	shalt  }
0x75: {  	_ =	shalt  }
0x76: {  	_ =	shalt  }
0x77: {  	_ =	shalt  }
0x78: {  	_ =	shalt  }
0x79: {  	_ =	shalt  }
0x7a: {  	_ =	shalt  }
0x7b: {  	_ =	shalt  }
0x7c: {  	_ =	shalt  }
0x7d: {  	_ =	shalt  }
0x7e: {  	_ =	shalt  }
0x7f: {  	_ =	shalt  }
0x80: {  	_ =	shalt  }
0x81: {  	_ =	shalt  }
0x82: {  	_ =	shalt  }
0x83: {  	_ =	shalt  }
0x84: {  	_ =	shalt  }
0x85: {  	_ =	shalt  }
0x86: {  	_ =	shalt  }
0x87: {  	_ =	shalt  }
.Lfunc_end0:
.L_simem_size_0:
called_computation_lowered:
.L_overlay_start_0:
0x88: {  	s2 =	sld [smem:$0x3FD9]  }
0x89: {  	s3 =	sld [smem:$0x3FFE];
	_ =	sdelay $0x1  }
0x8a: {  	s1 =	srdreg.scid  }
0x8b: {  	s0 =	sand.u32 $0x1, s1  }
0x8c: {  	s17 =	sshll.u32 s0, $0xA;
	s2 =	sadd.s32 s3, s2  }
0x8d: {  	s2 =	sadd.s32 s2, s17  }
0x8e: {  	[smem:$0x3FC5] =	sst s2  }
0x8f: {  	_ = 	snop  }
0x90: {  	s2 =	sld [smem:$0x3FD0];
	(tm) =	ssettm $0x1  }
0x91: {  	s18 =	sld [smem:$0x3FFB];
	_ =	sdelay $0x3  }
0x92: {  	_ =	strace s18  }
0x93: {  	s3 =	sld [smem:$0x3FFC];
	_ =	sdelay $0x3  }
0x94: {  	_ =	strace s3  }
0x95: {  	s3 =	sld [smem:$0x3FFD];
	_ =	sdelay $0x3  }
0x96: {  	_ =	strace s3  }
0x97: {  	_ =	strace $0x8FFFFFFF  }
0x98: {  	s19 =	sld [smem:$0x3FDB];
	_ =	sdelay $0x1  }
0x99: {  	s4 =	simm.s32 $_scs_section_size  }
0x9a: {  	s5 =	simm.s32 $_size__tile_overlayer_lowered;
	s6 =	simm.s32 $_tile_overlayer_lowered  }
0x9b: {  	s22 =	simm.s32 $0x1BFF;
	s21 =	sshll.u32 s6, $0x1;
	s3 =	sadd.s32 s4, s19  }
0x9c: {  	s7 =	simm.s32 $0x0;
	s20 =	sshll.u32 s5, $0x1;
	s5 =	sadd.s32 s21, s3  }
0x9d: {  	[timem:s7], [sflag:s22] =	dma.local [hbm:s5], s20  }
0x9e: {  	_ =	swait.ge [sflag:s22], s20  }
0x9f: {  	s4 =	ssub.s32 $0x0, s20;
	[sflag:s22] =	ssyncset.done $0x0  }
0xa0: {  	[sflag:s22] =	ssyncadd.s32 s4;
	_ =	sdelay $0x1  }
0xa1: {  	s23 =	simm.s32 $0x1B8B  }
0xa2: {  	_ =	swait.ge [sflag:s23], $0x1  }
0xa3: {  	[sflag:s23] =	ssyncset.done $0x0  }
0xa4: {  	s25 =	simm.s32 $0x1B8E;
	s24 =	sld [smem:$0x3FFE];
	[sflag:s23] =	ssyncadd.s32 $0xFFFFFFFF  }
0xa5: {  	s26 =	simm.s32 $execute0_lowered;
	[smem:$0x3FD2] =	sst s25  }
0xa6: {  	s5 =	sshll.u32 s26, $0x1;
	_ =	strace $0x80000046;
	[dreg:$0x1] =	wrdreg $0xFFFFFFFF  }
0xa7: {  	s28 =	simm.s32 $_size_execute0_lowered;
	s3 =	sadd.s32 s3, s5;
	[dreg:$0x0] =	wrdreg $0x0  }
0xa8: {  	s5 =	sshll.u32 s28, $0x1;
	[dreg:$0x2] =	wrdreg s3  }
0xa9: {  	[dreg:$0x3] =	wrdreg s5  }
0xaa: {  	[dreg:$0x4] =	wrdreg $0xC0  }
0xab: {  	_ =	task [dreg:s7], $0x5FFFF  }
0xac: {  	[dreg:$0x1] =	wrdreg $0xFFFFFFFF  }
0xad: {  	[dreg:$0x0] =	wrdreg $0x60  }
0xae: {  	[dreg:$0x2] =	wrdreg s24  }
0xaf: {  	[dreg:$0x3] =	wrdreg s2  }
0xb0: {  	[dreg:$0x4] =	wrdreg $0x9  }
0xb1: {  	_ =	task.clear_ibuf [dreg:s7], $0x5FFFF;
	_ =	strace $0x90000046  }
0xb2: {  	s29 =	simm.s32 $0x9;
	_ =	strace $0x80000048  }
0xb3: {  	_ =	swait.ge [sflag:s29], $0x1  }
0xb4: {  	[sflag:s29] =	ssyncadd.s32 $0xFFFFFFFF  }
0xb5: {  	_ =	strace $0x90000048  }
0xb6: {  	_ =	sfence  }
0xb7: {  	s30 =	sld [smem:$0x0];
	_ =	sdelay $0x2  }
0xb8: {  	s31 =	sshll.u32 s1, $0xD;
	s1 =	sshrl.u32 s1, $0x2  }
0xb9: {  	s3 =	sand.u32 $0x4000, s31;
	s1 =	sadd.s32 s1, s30  }
0xba: {  	s0 =	sor.u32 s3, s0;
	s1 =	sshll.u32 s1, $0x11  }
0xbb: {  	s0 =	sor.u32 s1, s0  }
0xbc: {  	s0 =	sadd.s32 $0x8F2B, s0  }
0xbd: {  	[sflag:s0] =	ssyncadd.remote.s32 $0x1  }
0xbe: {  	_ =	sfence.sel $0xFFFF  }
0xbf: {  	[dreg:$0x0] =	wrdreg $0xFFFFFFFF;
	(pc) =	sbr.abs _section_cstart, $3  }
0xc0: {  	[dreg:$0x1] =	wrdreg $0xFFFFFFFF  }
0xc1: {  	_ =	task.clear_ibuf [dreg:s7], $0x2FFFF;
	_ =	strace $0x9FFFFFFF  }
0xc2: {  	(tm) =	ssettm $0x7FFFFFFF  }
0xc3: {  	_ =	shalt  }
tec
execute0_lowered:
.L_overlay_start_1:
0x0: {  	(tag) =	ssettag $0x1  }
0x1: {  	s1 =	srdreg.scid;
	s4 =	rddreg [dreg:$0x0]  }
0x2: {  	s0 =	stileid.u32;
	s6 =	rddreg [dreg:$0x1]  }
0x3: {  	s2 =	simm.s32 $0x0;
	s10 =	simm.s32 $0x80;
	s11 =	simm.s32 $0x6400  }
0x4: {  	s12 =	simm.s32 $0xFA00;
	s13 =	simm.s32 $0x6480;
	s14 =	simm.s32 $0x11A00  }
0x5: {  	s15 =	simm.s32 $0x1;
	s16 =	simm.s32 $0x2;
	s17 =	simm.s32 $0x13A00  }
0x6: {  	s18 =	simm.s32 $0x0;
	s5 =	sand.u32 $0x1, s1;
	s3 =	sshll.u32 s0, $0x8  }
0x7: {  	v0 =	vlaneseq.u32;
	s1 =	rddreg [dreg:$0x2];
	s7 =	sshll.u32 s5, $0x7;
	s5 =	ssub.s32 $0x2, s5  }
0x8: {  	[smem:$0x7FF] =	sst s2;
	v0 =	vmul.u32 $0xC8, v0;
	s7 =	sor.u32 s7, s3;
	s9 =	sshrl.u32 s5, $0x1  }
0x9: {  	s3 =	smul.u32 $0x19, s7;
	s7 =	sshll.u32 s7, $0x3;
	s9 =	ssub.s32 s5, s9  }
0xa: {  	v8 =	vimm.f32 $0.0e+00;
	_ =	strace $0x80000047;
	v1 =	vadd.s32 $0xC80, v0;
	s6 =	sadd.s32 s6, s7;
	s7 =	smax.u32 s9, $0x1  }
0xb: {  	v2 =	vadd.s32 $0x1900, v0;
	v3 =	vadd.s32 $0x2580, v0;
	v4 =	vadd.s32 $0x3200, v0;
	s9 =	simm.s32 $0xC800;
	s8 =	sadd.s32 s3, s4;
	s3 =	sadd.s32 $0xF42C00, s4  }
0xc: {  	v5 =	vadd.s32 $0x3E80, v0;
	v6 =	vadd.s32 $0x4B00, v0;
	v7 =	vadd.s32 $0x5780, v0;
	s4 =	sadd.s32 $0x19800, s4;
	s5 =	sadd.s32 $0x800, s8;
	s8 =	simm.s32 $0x3  }
.LBB2_1:
0xd: {  	[tilespmem:s2], [sflag:$0x3] =	stream.linear.gather [hbm4b:s5+s2], $0x6400, $0x38;
	[tilespmem:$0x15A00] =	vst v63  }
0xe: {  	v9 =	vmov s2;
	_ =	swait.ge [sflag:s8], $0x6400  }
0xf: {  	v9 =	vand.u32 $0xFF, v9;
	[sflag:s8] =	ssyncset.done $0x0  }
0x10: {  	v10 =	vadd.s32 v0, v9;
	[sflag:s8] =	ssyncadd.s32 $0xFFFF9C00  }
0x11: {  	[tilespmem:s9], [sflag:$0x3] =	stream.linear.gather [hbm4b:s4+s2], $0x3200, $0x38;
	[tilespmem:$0x15A00] =	vst v63  }
0x12: {  	_ =	swait.ge [sflag:s8], $0x3200  }
0x13: {  	[sflag:s8] =	ssyncset.done $0x0  }
0x14: {  	[sflag:s8] =	ssyncadd.s32 $0xFFFFCE00  }
0x15: {  	v10 =	vld.idx.msk [tilespmem:v10+s2+$0x0], $0xffff  }
0x16: {  	v11 =	vadd.s32 v1, v9;
	_ =	sdelay $0x2  }
0x17: {  	s19 =	simm.s32 $0x6440  }
0x18: {  	[tilespmem:s19+$0xFFFFFFC0] =	vst v10  }
0x19: {  	v10 =	vld.idx.msk [tilespmem:v11+s2+$0x0], $0xffff  }
0x1a: {  	v11 =	vadd.s32 v2, v9;
	_ =	sdelay $0x3  }
0x1b: {  	[tilespmem:s19+$0xFFFFFFD0] =	vst v10  }
0x1c: {  	v10 =	vld.idx.msk [tilespmem:v11+s2+$0x0], $0xffff  }
0x1d: {  	v11 =	vadd.s32 v3, v9;
	_ =	sdelay $0x3  }
0x1e: {  	[tilespmem:s19+$0xFFFFFFE0] =	vst v10  }
0x1f: {  	v10 =	vld.idx.msk [tilespmem:v11+s2+$0x0], $0xffff  }
0x20: {  	v11 =	vadd.s32 v4, v9;
	_ =	sdelay $0x3  }
0x21: {  	[tilespmem:s19+$0xFFFFFFF0] =	vst v10  }
0x22: {  	v10 =	vld.idx.msk [tilespmem:v11+s2+$0x0], $0xffff  }
0x23: {  	v11 =	vadd.s32 v5, v9;
	_ =	sdelay $0x3  }
0x24: {  	[tilespmem:s19+$0x0] =	vst v10  }
0x25: {  	v10 =	vld.idx.msk [tilespmem:v11+s2+$0x0], $0xffff  }
0x26: {  	v11 =	vadd.s32 v6, v9;
	_ =	sdelay $0x3  }
0x27: {  	[tilespmem:s19+$0x10] =	vst v10  }
0x28: {  	v10 =	vld.idx.msk [tilespmem:v11+s2+$0x0], $0xffff  }
0x29: {  	v9 =	vadd.s32 v7, v9;
	_ =	sdelay $0x3  }
0x2a: {  	s20 =	simm.s32 $0x1;
	[tilespmem:s19+$0x20] =	vst v10  }
0x2b: {  	s21 =	simm.s32 $0x2;
	v10 =	vmov s20;
	v9 =	vld.idx.msk [tilespmem:v9+s2+$0x0], $0xffff  }
.LBB2_2:
0x2c: {  	p0 =	sne.s32 s21, $0xC7;
	v10 =	vand.u32 $0xFF, v10  }
0x2d: {  	v11 =	vadd.s32 v0, v10;
	_ =	sdelay $0x3  }
0x2e: {  	s20 =	simm.s32 $0x0;
	[tilespmem:s19+$0x30] =	vst v9  }
0x2f: {  	v9 =	vld.idx.msk [tilespmem:v11+s20+$0x0], $0xffff;
	_ =	sdelay $0x1  }
0x30: {  	v11 =	vadd.s32 v1, v10;
	_ =	sdelay $0x2  }
0x31: {  	s19 =	sadd.s32 $0x80, s19  }
0x32: {  	[tilespmem:s19+$0xFFFFFFC0] =	vst v9  }
0x33: {  	v9 =	vld.idx.msk [tilespmem:v11+s20+$0x0], $0xffff;
	_ =	sdelay $0x1  }
0x34: {  	v11 =	vadd.s32 v2, v10;
	_ =	sdelay $0x3  }
0x35: {  	[tilespmem:s19+$0xFFFFFFD0] =	vst v9  }
0x36: {  	v9 =	vld.idx.msk [tilespmem:v11+s20+$0x0], $0xffff;
	_ =	sdelay $0x1  }
0x37: {  	v11 =	vadd.s32 v3, v10;
	_ =	sdelay $0x3  }
0x38: {  	[tilespmem:s19+$0xFFFFFFE0] =	vst v9  }
0x39: {  	v9 =	vld.idx.msk [tilespmem:v11+s20+$0x0], $0xffff;
	_ =	sdelay $0x1  }
0x3a: {  	v11 =	vadd.s32 v4, v10;
	_ =	sdelay $0x3  }
0x3b: {  	[tilespmem:s19+$0xFFFFFFF0] =	vst v9  }
0x3c: {  	v9 =	vld.idx.msk [tilespmem:v11+s20+$0x0], $0xffff;
	_ =	sdelay $0x1  }
0x3d: {  	v11 =	vadd.s32 v5, v10;
	_ =	sdelay $0x3  }
0x3e: {  	[tilespmem:s19+$0x0] =	vst v9  }
0x3f: {  	v9 =	vld.idx.msk [tilespmem:v11+s20+$0x0], $0xffff;
	_ =	sdelay $0x1  }
0x40: {  	v11 =	vadd.s32 v6, v10;
	_ =	sdelay $0x3  }
0x41: {  	[tilespmem:s19+$0x10] =	vst v9  }
0x42: {  	v9 =	vld.idx.msk [tilespmem:v11+s20+$0x0], $0xffff;
	_ =	sdelay $0x1  }
0x43: {  	v11 =	vadd.s32 v7, v10  }
.Ltmp0:
0x44: {  	(pc) =	sbr.rel @p0 .LBB2_2-.Ltmp0, $3  }
0x45: {  	_ =	sdelay $0x1  }
0x46: {  	[tilespmem:s19+$0x20] =	vst v9  }
0x47: {  	v10 =	vmov s21;
	s21 =	sadd.s32 $0x1, s21;
	v9 =	vld.idx.msk [tilespmem:v11+s20+$0x0], $0xffff  }
0x48: {  	v10 =	vand.u32 $0xFF, v10  }
0x49: {  	v11 =	vadd.s32 v0, v10;
	_ =	sdelay $0x3  }
0x4a: {  	[tilespmem:s19+$0x30] =	vst v9  }
0x4b: {  	v9 =	vld.idx.msk [tilespmem:v11+s20+$0x0], $0xffff  }
0x4c: {  	v11 =	vadd.s32 v1, v10;
	_ =	sdelay $0x2  }
0x4d: {  	s31 =	sadd.s32 $0x80, s19  }
0x4e: {  	[tilespmem:s31+$0xFFFFFFC0] =	vst v9  }
0x4f: {  	v9 =	vld.idx.msk [tilespmem:v11+s20+$0x0], $0xffff  }
0x50: {  	v11 =	vadd.s32 v2, v10;
	_ =	sdelay $0x3  }
0x51: {  	[tilespmem:s31+$0xFFFFFFD0] =	vst v9  }
0x52: {  	v9 =	vld.idx.msk [tilespmem:v11+s20+$0x0], $0xffff  }
0x53: {  	v11 =	vadd.s32 v3, v10;
	_ =	sdelay $0x3  }
0x54: {  	[tilespmem:s31+$0xFFFFFFE0] =	vst v9  }
0x55: {  	v9 =	vld.idx.msk [tilespmem:v11+s20+$0x0], $0xffff  }
0x56: {  	v11 =	vadd.s32 v4, v10;
	_ =	sdelay $0x3  }
0x57: {  	[tilespmem:s31+$0xFFFFFFF0] =	vst v9  }
0x58: {  	v9 =	vld.idx.msk [tilespmem:v11+s20+$0x0], $0xffff  }
0x59: {  	v11 =	vadd.s32 v5, v10;
	_ =	sdelay $0x3  }
0x5a: {  	[tilespmem:s31+$0x0] =	vst v9  }
0x5b: {  	v9 =	vld.idx.msk [tilespmem:v11+s20+$0x0], $0xffff  }
0x5c: {  	v11 =	vadd.s32 v6, v10;
	_ =	sdelay $0x3  }
0x5d: {  	[tilespmem:s31+$0x10] =	vst v9  }
0x5e: {  	v9 =	vld.idx.msk [tilespmem:v11+s20+$0x0], $0xffff  }
0x5f: {  	v10 =	vadd.s32 v7, v10;
	_ =	sdelay $0x3  }
0x60: {  	[tilespmem:s31+$0x20] =	vst v9  }
0x61: {  	p0 =	por $0x1, $0x1;
	v9 =	vld.idx.msk [tilespmem:v10+s20+$0x0], $0xffff  }
.Ltmp1:
0x62: {  	_ = 	snop;
	(pc) =	sbr.rel @!p0 .LBB2_5-.Ltmp1, $2  }
0x63: {  	_ =	sdelay $0x2  }
0x64: {  	s19 =	simm.s32 $0x0;
	s20 =	simm.s32 $0x100;
	[tilespmem:s31+$0x30] =	vst v9  }
.LBB2_4:
0x65: {  	p0 =	sne.s32 s20, $0x7F00;
	[tilespmem:s19+$0x13A30] =	vst v8;
	s21 =	smov.u32 s20;
	s20 =	sadd.s32 $0x100, s20  }
.Ltmp2:
0x66: {  	[tilespmem:s19+$0x13A20] =	vst v8;
	(pc) =	sbr.rel @p0 .LBB2_4-.Ltmp2, $3  }
0x67: {  	[tilespmem:s19+$0x13A00] =	vst v8  }
0x68: {  	[tilespmem:s19+$0x13A10] =	vst v8;
	_ =	sdelay $0x1  }
0x69: {  	s19 =	sshra.s32 s21, $0x2  }
.LBB2_5:
0x6a: {  	[tilespmem:s19+$0x13A30] =	vst v8  }
0x6b: {  	[tilespmem:s19+$0x13A20] =	vst v8  }
0x6c: {  	[tilespmem:s19+$0x13A00] =	vst v8  }
0x6d: {  	[tilespmem:s19+$0x13A10] =	vst v8  }
0x6e: {  	[tilespmem:s12], [sflag:$0x1] =	stream.indirect.gather [hbm4b:s3+s10], $0x40, s11, s10, $0xb8;
	[tilespmem:$0x15A00] =	vst v63  }
0x6f: {  	s19 =	simm.s32 $0x0  }
0x70: {  	[tilespmem:s14], [sflag:$0x2] =	stream.indirect.gather [hbm4b:s3+s10], $0x40, s13, s10, $0xb8;
	[tilespmem:$0x15A00] =	vst v63  }
.LBB2_6:
0x71: {  	_ =	swait.ge [sflag:s15], $0x2000  }
0x72: {  	s20 =	sshll.u32 s19, $0x7;
	[sflag:s15] =	ssyncset.done $0x0  }
0x73: {  	s20 =	sand.u32 $0x3FFFFF80, s20;
	[sflag:s15] =	ssyncadd.s32 $0xFFFFE000  }
0x74: {  	v11 =	vld [tilespmem:s20+$0xC800]  }
0x75: {  	v10 =	vld [tilespmem:s20+$0xC810]  }
0x76: {  	v9 =	vld [tilespmem:s20+$0xC820]  }
0x77: {  	s22 =	simm.s32 $0x0;
	s21 =	simm.s32 $0x400;
	v12 =	vld [tilespmem:s20+$0xC830]  }
.LBB2_7:
0x78: {  	p0 =	sne.s32 s21, $0x7C00;
	v13 =	vld [tilespmem:s22+$0xFAF0]  }
0x79: {  	v14 =	vld [tilespmem:s22+$0xFA00]  }
0x7a: {  	v15 =	vld [tilespmem:s22+$0xFA10]  }
0x7b: {  	v16 =	vld [tilespmem:s22+$0xFA20]  }
0x7c: {  	v17 =	vld [tilespmem:s22+$0xFA30]  }
0x7d: {  	v18 =	vld [tilespmem:s22+$0xFA40];
	v13 =	vmul.f32 v13, v12  }
0x7e: {  	v14 =	vmul.f32 v14, v11;
	v19 =	vld [tilespmem:s22+$0xFA50]  }
0x7f: {  	v15 =	vmul.f32 v15, v10;
	[tilespmem:s22+$0x13AF0] =	vst.add.f32.msk $0xffff, v13  }
0x80: {  	v13 =	vmul.f32 v16, v9;
	v16 =	vld [tilespmem:s22+$0xFA60]  }
0x81: {  	v17 =	vmul.f32 v17, v12;
	v20 =	vld [tilespmem:s22+$0xFA70]  }
0x82: {  	v18 =	vmul.f32 v18, v11;
	v21 =	vld [tilespmem:s22+$0xFA80]  }
0x83: {  	v19 =	vmul.f32 v19, v10;
	v22 =	vld [tilespmem:s22+$0xFA90]  }
0x84: {  	v23 =	vld [tilespmem:s22+$0xFAA0]  }
0x85: {  	v16 =	vmul.f32 v16, v9;
	v24 =	vld [tilespmem:s22+$0xFAB0]  }
0x86: {  	v20 =	vmul.f32 v20, v12;
	v25 =	vld [tilespmem:s22+$0xFAC0]  }
0x87: {  	v21 =	vmul.f32 v21, v11;
	v26 =	vld [tilespmem:s22+$0xFAD0]  }
0x88: {  	v22 =	vmul.f32 v22, v10;
	v27 =	vld [tilespmem:s22+$0xFAE0]  }
0x89: {  	[tilespmem:s22+$0x13A00] =	vst.add.f32.msk $0xffff, v14;
	v14 =	vmul.f32 v23, v9  }
0x8a: {  	[tilespmem:s22+$0x13A10] =	vst.add.f32.msk $0xffff, v15;
	v15 =	vmul.f32 v24, v12  }
0x8b: {  	[tilespmem:s22+$0x13A20] =	vst.add.f32.msk $0xffff, v13;
	v13 =	vmul.f32 v25, v11  }
0x8c: {  	[tilespmem:s22+$0x13A30] =	vst.add.f32.msk $0xffff, v17;
	v17 =	vmul.f32 v26, v10  }
0x8d: {  	[tilespmem:s22+$0x13A40] =	vst.add.f32.msk $0xffff, v18;
	v18 =	vmul.f32 v27, v9  }
0x8e: {  	[tilespmem:s22+$0x13A50] =	vst.add.f32.msk $0xffff, v19  }
0x8f: {  	[tilespmem:s22+$0x13A60] =	vst.add.f32.msk $0xffff, v16  }
0x90: {  	[tilespmem:s22+$0x13A70] =	vst.add.f32.msk $0xffff, v20  }
0x91: {  	[tilespmem:s22+$0x13A80] =	vst.add.f32.msk $0xffff, v21  }
0x92: {  	[tilespmem:s22+$0x13A90] =	vst.add.f32.msk $0xffff, v22  }
.Ltmp3:
0x93: {  	[tilespmem:s22+$0x13AA0] =	vst.add.f32.msk $0xffff, v14;
	(pc) =	sbr.rel @p0 .LBB2_7-.Ltmp3, $4  }
0x94: {  	[tilespmem:s22+$0x13AB0] =	vst.add.f32.msk $0xffff, v15  }
0x95: {  	[tilespmem:s22+$0x13AC0] =	vst.add.f32.msk $0xffff, v13  }
0x96: {  	[tilespmem:s22+$0x13AD0] =	vst.add.f32.msk $0xffff, v17  }
0x97: {  	[tilespmem:s22+$0x13AE0] =	vst.add.f32.msk $0xffff, v18;
	s22 =	sshra.s32 s21, $0x2;
	s21 =	sadd.s32 $0x400, s21  }
0x98: {  	v13 =	vld [tilespmem:s22+$0xFAF0]  }
0x99: {  	v14 =	vld [tilespmem:s22+$0xFA00]  }
0x9a: {  	v15 =	vld [tilespmem:s22+$0xFA10]  }
0x9b: {  	v16 =	vld [tilespmem:s22+$0xFA20]  }
0x9c: {  	v17 =	vld [tilespmem:s22+$0xFA30]  }
0x9d: {  	v18 =	vld [tilespmem:s22+$0xFA40]  }
0x9e: {  	v19 =	vld [tilespmem:s22+$0xFA50]  }
0x9f: {  	v20 =	vld [tilespmem:s22+$0xFA70]  }
0xa0: {  	v21 =	vld [tilespmem:s22+$0xFA80]  }
0xa1: {  	v22 =	vld [tilespmem:s22+$0xFA90]  }
0xa2: {  	v23 =	vld [tilespmem:s22+$0xFAA0]  }
0xa3: {  	v24 =	vld [tilespmem:s22+$0xFAB0]  }
0xa4: {  	v25 =	vld [tilespmem:s22+$0xFAC0]  }
0xa5: {  	v26 =	vld [tilespmem:s22+$0xFAD0];
	v13 =	vmul.f32 v13, v12  }
0xa6: {  	v27 =	vld [tilespmem:s22+$0xFAE0]  }
0xa7: {  	v14 =	vmul.f32 v14, v11;
	[tilespmem:s22+$0x13AF0] =	vst.add.f32.msk $0xffff, v13  }
0xa8: {  	v15 =	vmul.f32 v15, v10;
	v13 =	vld [tilespmem:s22+$0xFA60]  }
0xa9: {  	v16 =	vmul.f32 v16, v9;
	[tilespmem:s22+$0x13A00] =	vst.add.f32.msk $0xffff, v14  }
0xaa: {  	v63 =	vmul.f32 v19, v10;
	[tilespmem:s22+$0x13A10] =	vst.add.f32.msk $0xffff, v15  }
0xab: {  	v14 =	vmul.f32 v17, v12;
	[tilespmem:s22+$0x13A20] =	vst.add.f32.msk $0xffff, v16  }
0xac: {  	v15 =	vmul.f32 v18, v11;
	[tilespmem:s22+$0x13A50] =	vst.add.f32.msk $0xffff, v63  }
0xad: {  	[tilespmem:s22+$0x13A30] =	vst.add.f32.msk $0xffff, v14;
	v14 =	vmul.f32 v20, v12  }
0xae: {  	[tilespmem:s22+$0x13A40] =	vst.add.f32.msk $0xffff, v15;
	v15 =	vmul.f32 v21, v11  }
0xaf: {  	v12 =	vmul.f32 v24, v12;
	[tilespmem:s22+$0x13A70] =	vst.add.f32.msk $0xffff, v14  }
0xb0: {  	v11 =	vmul.f32 v25, v11;
	[tilespmem:s22+$0x13A80] =	vst.add.f32.msk $0xffff, v15  }
0xb1: {  	v14 =	vmul.f32 v23, v9;
	[tilespmem:s22+$0x13AB0] =	vst.add.f32.msk $0xffff, v12  }
0xb2: {  	[tilespmem:s22+$0x13AC0] =	vst.add.f32.msk $0xffff, v11;
	v13 =	vmul.f32 v13, v9  }
0xb3: {  	v9 =	vmul.f32 v27, v9;
	[tilespmem:s22+$0x13AA0] =	vst.add.f32.msk $0xffff, v14  }
0xb4: {  	[tilespmem:s22+$0x13A60] =	vst.add.f32.msk $0xffff, v13;
	v13 =	vmul.f32 v22, v10  }
0xb5: {  	s21 =	sshll.u32 s19, $0x8;
	v10 =	vmul.f32 v26, v10;
	[tilespmem:s22+$0x13AE0] =	vst.add.f32.msk $0xffff, v9  }
0xb6: {  	s21 =	sand.u32 $0x3FFFFF00, s21;
	[tilespmem:s22+$0x13A90] =	vst.add.f32.msk $0xffff, v13  }
0xb7: {  	s31 =	sadd.s32 $0x6500, s21;
	[tilespmem:s22+$0x13AD0] =	vst.add.f32.msk $0xffff, v10  }
0xb8: {  	[tilespmem:s12], [sflag:$0x1] =	stream.indirect.gather [hbm4b:s3+s10], $0x40, s31, s10, $0xb8;
	[tilespmem:$0x15A00] =	vst v63  }
0xb9: {  	_ =	swait.ge [sflag:s16], $0x2000  }
0xba: {  	[sflag:s16] =	ssyncset.done $0x0  }
0xbb: {  	[sflag:s16] =	ssyncadd.s32 $0xFFFFE000  }
0xbc: {  	v11 =	vld [tilespmem:s20+$0xC840]  }
0xbd: {  	v10 =	vld [tilespmem:s20+$0xC850]  }
0xbe: {  	v9 =	vld [tilespmem:s20+$0xC860]  }
0xbf: {  	s22 =	simm.s32 $0x400;
	v12 =	vld [tilespmem:s20+$0xC870];
	s20 =	simm.s32 $0x0  }
.LBB2_9:
0xc0: {  	p0 =	sne.s32 s22, $0x7C00;
	v13 =	vld [tilespmem:s20+$0x11AF0]  }
0xc1: {  	v14 =	vld [tilespmem:s20+$0x11A00]  }
0xc2: {  	v15 =	vld [tilespmem:s20+$0x11A10]  }
0xc3: {  	v16 =	vld [tilespmem:s20+$0x11A20]  }
0xc4: {  	v17 =	vld [tilespmem:s20+$0x11A30]  }
0xc5: {  	v18 =	vld [tilespmem:s20+$0x11A40];
	v13 =	vmul.f32 v13, v12  }
0xc6: {  	v14 =	vmul.f32 v14, v11;
	v19 =	vld [tilespmem:s20+$0x11A50]  }
0xc7: {  	v15 =	vmul.f32 v15, v10;
	[tilespmem:s20+$0x13AF0] =	vst.add.f32.msk $0xffff, v13  }
0xc8: {  	v13 =	vmul.f32 v16, v9;
	v16 =	vld [tilespmem:s20+$0x11A60]  }
0xc9: {  	v17 =	vmul.f32 v17, v12;
	v20 =	vld [tilespmem:s20+$0x11A70]  }
0xca: {  	v18 =	vmul.f32 v18, v11;
	v21 =	vld [tilespmem:s20+$0x11A80]  }
0xcb: {  	v19 =	vmul.f32 v19, v10;
	v22 =	vld [tilespmem:s20+$0x11A90]  }
0xcc: {  	v23 =	vld [tilespmem:s20+$0x11AA0]  }
0xcd: {  	v16 =	vmul.f32 v16, v9;
	v24 =	vld [tilespmem:s20+$0x11AB0]  }
0xce: {  	v20 =	vmul.f32 v20, v12;
	v25 =	vld [tilespmem:s20+$0x11AC0]  }
0xcf: {  	v21 =	vmul.f32 v21, v11;
	v26 =	vld [tilespmem:s20+$0x11AD0]  }
0xd0: {  	v22 =	vmul.f32 v22, v10;
	v27 =	vld [tilespmem:s20+$0x11AE0]  }
0xd1: {  	[tilespmem:s20+$0x13A00] =	vst.add.f32.msk $0xffff, v14;
	v14 =	vmul.f32 v23, v9  }
0xd2: {  	[tilespmem:s20+$0x13A10] =	vst.add.f32.msk $0xffff, v15;
	v15 =	vmul.f32 v24, v12  }
0xd3: {  	[tilespmem:s20+$0x13A20] =	vst.add.f32.msk $0xffff, v13;
	v13 =	vmul.f32 v25, v11  }
0xd4: {  	[tilespmem:s20+$0x13A30] =	vst.add.f32.msk $0xffff, v17;
	v17 =	vmul.f32 v26, v10  }
0xd5: {  	[tilespmem:s20+$0x13A40] =	vst.add.f32.msk $0xffff, v18;
	v18 =	vmul.f32 v27, v9  }
0xd6: {  	[tilespmem:s20+$0x13A50] =	vst.add.f32.msk $0xffff, v19  }
0xd7: {  	[tilespmem:s20+$0x13A60] =	vst.add.f32.msk $0xffff, v16  }
0xd8: {  	[tilespmem:s20+$0x13A70] =	vst.add.f32.msk $0xffff, v20  }
0xd9: {  	[tilespmem:s20+$0x13A80] =	vst.add.f32.msk $0xffff, v21  }
0xda: {  	[tilespmem:s20+$0x13A90] =	vst.add.f32.msk $0xffff, v22  }
.Ltmp4:
0xdb: {  	[tilespmem:s20+$0x13AA0] =	vst.add.f32.msk $0xffff, v14;
	(pc) =	sbr.rel @p0 .LBB2_9-.Ltmp4, $4  }
0xdc: {  	[tilespmem:s20+$0x13AB0] =	vst.add.f32.msk $0xffff, v15  }
0xdd: {  	[tilespmem:s20+$0x13AC0] =	vst.add.f32.msk $0xffff, v13  }
0xde: {  	[tilespmem:s20+$0x13AD0] =	vst.add.f32.msk $0xffff, v17  }
0xdf: {  	[tilespmem:s20+$0x13AE0] =	vst.add.f32.msk $0xffff, v18;
	s20 =	sshra.s32 s22, $0x2;
	s22 =	sadd.s32 $0x400, s22  }
0xe0: {  	v13 =	vld [tilespmem:s20+$0x11AF0]  }
0xe1: {  	v14 =	vld [tilespmem:s20+$0x11A00]  }
0xe2: {  	v15 =	vld [tilespmem:s20+$0x11A10]  }
0xe3: {  	v16 =	vld [tilespmem:s20+$0x11A20]  }
0xe4: {  	v17 =	vld [tilespmem:s20+$0x11A30]  }
0xe5: {  	v18 =	vld [tilespmem:s20+$0x11A40]  }
0xe6: {  	v19 =	vld [tilespmem:s20+$0x11A50]  }
0xe7: {  	v55 =	vld [tilespmem:s20+$0x11A60]  }
0xe8: {  	v20 =	vld [tilespmem:s20+$0x11A70]  }
0xe9: {  	v21 =	vld [tilespmem:s20+$0x11A80]  }
0xea: {  	v22 =	vld [tilespmem:s20+$0x11A90]  }
0xeb: {  	v23 =	vld [tilespmem:s20+$0x11AA0]  }
0xec: {  	v24 =	vld [tilespmem:s20+$0x11AB0]  }
0xed: {  	v25 =	vld [tilespmem:s20+$0x11AC0]  }
0xee: {  	v26 =	vld [tilespmem:s20+$0x11AD0];
	v13 =	vmul.f32 v13, v12  }
0xef: {  	v27 =	vld [tilespmem:s20+$0x11AE0];
	v14 =	vmul.f32 v14, v11  }
0xf0: {  	v15 =	vmul.f32 v15, v10;
	[tilespmem:s20+$0x13AF0] =	vst.add.f32.msk $0xffff, v13  }
0xf1: {  	v16 =	vmul.f32 v16, v9;
	[tilespmem:s20+$0x13A00] =	vst.add.f32.msk $0xffff, v14  }
0xf2: {  	v56 =	vmul.f32 v17, v12;
	[tilespmem:s20+$0x13A10] =	vst.add.f32.msk $0xffff, v15  }
0xf3: {  	v57 =	vmul.f32 v18, v11;
	[tilespmem:s20+$0x13A20] =	vst.add.f32.msk $0xffff, v16  }
0xf4: {  	v58 =	vmul.f32 v19, v10;
	[tilespmem:s20+$0x13A30] =	vst.add.f32.msk $0xffff, v56  }
0xf5: {  	v59 =	vmul.f32 v20, v12;
	[tilespmem:s20+$0x13A40] =	vst.add.f32.msk $0xffff, v57  }
0xf6: {  	v60 =	vmul.f32 v21, v11;
	[tilespmem:s20+$0x13A50] =	vst.add.f32.msk $0xffff, v58  }
0xf7: {  	v61 =	vmul.f32 v22, v10;
	[tilespmem:s20+$0x13A70] =	vst.add.f32.msk $0xffff, v59  }
0xf8: {  	v62 =	vmul.f32 v23, v9;
	[tilespmem:s20+$0x13A80] =	vst.add.f32.msk $0xffff, v60  }
0xf9: {  	v63 =	vmul.f32 v24, v12;
	[tilespmem:s20+$0x13A90] =	vst.add.f32.msk $0xffff, v61  }
0xfa: {  	s19 =	sadd.s32 $0x1, s19;
	v11 =	vmul.f32 v25, v11;
	[tilespmem:s20+$0x13AA0] =	vst.add.f32.msk $0xffff, v62  }
0xfb: {  	p0 =	sne.s32 s19, $0x63;
	v10 =	vmul.f32 v26, v10;
	[tilespmem:s20+$0x13AB0] =	vst.add.f32.msk $0xffff, v63  }
.Ltmp5:
0xfc: {  	v13 =	vmul.f32 v55, v9;
	[tilespmem:s20+$0x13AC0] =	vst.add.f32.msk $0xffff, v11;
	(pc) =	sbr.rel @p0 .LBB2_6-.Ltmp5, $4  }
0xfd: {  	v9 =	vmul.f32 v27, v9;
	[tilespmem:s20+$0x13AD0] =	vst.add.f32.msk $0xffff, v10  }
0xfe: {  	[tilespmem:s20+$0x13A60] =	vst.add.f32.msk $0xffff, v13  }
0xff: {  	s31 =	sadd.s32 $0x6580, s21;
	[tilespmem:s20+$0x13AE0] =	vst.add.f32.msk $0xffff, v9  }
0x100: {  	[tilespmem:s14], [sflag:$0x2] =	stream.indirect.gather [hbm4b:s3+s10], $0x40, s31, s10, $0xb8;
	[tilespmem:$0x15A00] =	vst v63  }
0x101: {  	_ =	swait.ge [sflag:s15], $0x2000  }
0x102: {  	[sflag:s15] =	ssyncset.done $0x0  }
0x103: {  	[sflag:s15] =	ssyncadd.s32 $0xFFFFE000  }
0x104: {  	v11 =	vld [tilespmem:$0xF980]  }
0x105: {  	v10 =	vld [tilespmem:$0xF990]  }
0x106: {  	v9 =	vld [tilespmem:$0xF9A0]  }
0x107: {  	s19 =	simm.s32 $0x0;
	s20 =	simm.s32 $0x400;
	v12 =	vld [tilespmem:$0xF9B0]  }
.LBB2_12:
0x108: {  	p0 =	sne.s32 s20, $0x7C00;
	v13 =	vld [tilespmem:s19+$0xFAF0]  }
0x109: {  	v14 =	vld [tilespmem:s19+$0xFA00]  }
0x10a: {  	v15 =	vld [tilespmem:s19+$0xFA10]  }
0x10b: {  	v16 =	vld [tilespmem:s19+$0xFA20]  }
0x10c: {  	v17 =	vld [tilespmem:s19+$0xFA30]  }
0x10d: {  	v18 =	vld [tilespmem:s19+$0xFA40];
	v13 =	vmul.f32 v13, v12  }
0x10e: {  	v14 =	vmul.f32 v14, v11;
	v19 =	vld [tilespmem:s19+$0xFA50]  }
0x10f: {  	v15 =	vmul.f32 v15, v10;
	[tilespmem:s19+$0x13AF0] =	vst.add.f32.msk $0xffff, v13  }
0x110: {  	v13 =	vmul.f32 v16, v9;
	v16 =	vld [tilespmem:s19+$0xFA60]  }
0x111: {  	v17 =	vmul.f32 v17, v12;
	v20 =	vld [tilespmem:s19+$0xFA70]  }
0x112: {  	v18 =	vmul.f32 v18, v11;
	v21 =	vld [tilespmem:s19+$0xFA80]  }
0x113: {  	v19 =	vmul.f32 v19, v10;
	v22 =	vld [tilespmem:s19+$0xFA90]  }
0x114: {  	v23 =	vld [tilespmem:s19+$0xFAA0]  }
0x115: {  	v16 =	vmul.f32 v16, v9;
	v24 =	vld [tilespmem:s19+$0xFAB0]  }
0x116: {  	v20 =	vmul.f32 v20, v12;
	v25 =	vld [tilespmem:s19+$0xFAC0]  }
0x117: {  	v21 =	vmul.f32 v21, v11;
	v26 =	vld [tilespmem:s19+$0xFAD0]  }
0x118: {  	v22 =	vmul.f32 v22, v10;
	v27 =	vld [tilespmem:s19+$0xFAE0]  }
0x119: {  	[tilespmem:s19+$0x13A00] =	vst.add.f32.msk $0xffff, v14;
	v14 =	vmul.f32 v23, v9  }
0x11a: {  	[tilespmem:s19+$0x13A10] =	vst.add.f32.msk $0xffff, v15;
	v15 =	vmul.f32 v24, v12  }
0x11b: {  	[tilespmem:s19+$0x13A20] =	vst.add.f32.msk $0xffff, v13;
	v13 =	vmul.f32 v25, v11  }
0x11c: {  	[tilespmem:s19+$0x13A30] =	vst.add.f32.msk $0xffff, v17;
	v17 =	vmul.f32 v26, v10  }
0x11d: {  	[tilespmem:s19+$0x13A40] =	vst.add.f32.msk $0xffff, v18;
	v18 =	vmul.f32 v27, v9  }
0x11e: {  	[tilespmem:s19+$0x13A50] =	vst.add.f32.msk $0xffff, v19  }
0x11f: {  	[tilespmem:s19+$0x13A60] =	vst.add.f32.msk $0xffff, v16  }
0x120: {  	[tilespmem:s19+$0x13A70] =	vst.add.f32.msk $0xffff, v20  }
0x121: {  	[tilespmem:s19+$0x13A80] =	vst.add.f32.msk $0xffff, v21  }
0x122: {  	[tilespmem:s19+$0x13A90] =	vst.add.f32.msk $0xffff, v22  }
.Ltmp6:
0x123: {  	[tilespmem:s19+$0x13AA0] =	vst.add.f32.msk $0xffff, v14;
	(pc) =	sbr.rel @p0 .LBB2_12-.Ltmp6, $4  }
0x124: {  	[tilespmem:s19+$0x13AB0] =	vst.add.f32.msk $0xffff, v15  }
0x125: {  	[tilespmem:s19+$0x13AC0] =	vst.add.f32.msk $0xffff, v13  }
0x126: {  	[tilespmem:s19+$0x13AD0] =	vst.add.f32.msk $0xffff, v17  }
0x127: {  	[tilespmem:s19+$0x13AE0] =	vst.add.f32.msk $0xffff, v18;
	s19 =	sshra.s32 s20, $0x2;
	s20 =	sadd.s32 $0x400, s20  }
0x128: {  	v13 =	vld [tilespmem:s19+$0xFAF0]  }
0x129: {  	v14 =	vld [tilespmem:s19+$0xFA00]  }
0x12a: {  	v15 =	vld [tilespmem:s19+$0xFA10]  }
0x12b: {  	v16 =	vld [tilespmem:s19+$0xFA20]  }
0x12c: {  	v17 =	vld [tilespmem:s19+$0xFA30]  }
0x12d: {  	v18 =	vld [tilespmem:s19+$0xFA40]  }
0x12e: {  	v19 =	vld [tilespmem:s19+$0xFA50]  }
0x12f: {  	v20 =	vld [tilespmem:s19+$0xFA70]  }
0x130: {  	v21 =	vld [tilespmem:s19+$0xFA80]  }
0x131: {  	v22 =	vld [tilespmem:s19+$0xFA90]  }
0x132: {  	v23 =	vld [tilespmem:s19+$0xFAA0]  }
0x133: {  	v24 =	vld [tilespmem:s19+$0xFAB0]  }
0x134: {  	v25 =	vld [tilespmem:s19+$0xFAC0]  }
0x135: {  	v26 =	vld [tilespmem:s19+$0xFAD0];
	v13 =	vmul.f32 v13, v12  }
0x136: {  	v27 =	vld [tilespmem:s19+$0xFAE0]  }
0x137: {  	v14 =	vmul.f32 v14, v11;
	[tilespmem:s19+$0x13AF0] =	vst.add.f32.msk $0xffff, v13  }
0x138: {  	v15 =	vmul.f32 v15, v10;
	v13 =	vld [tilespmem:s19+$0xFA60]  }
0x139: {  	v16 =	vmul.f32 v16, v9;
	[tilespmem:s19+$0x13A00] =	vst.add.f32.msk $0xffff, v14  }
0x13a: {  	v63 =	vmul.f32 v19, v10;
	[tilespmem:s19+$0x13A10] =	vst.add.f32.msk $0xffff, v15  }
0x13b: {  	v14 =	vmul.f32 v17, v12;
	[tilespmem:s19+$0x13A20] =	vst.add.f32.msk $0xffff, v16  }
0x13c: {  	v15 =	vmul.f32 v18, v11;
	[tilespmem:s19+$0x13A50] =	vst.add.f32.msk $0xffff, v63  }
0x13d: {  	[tilespmem:s19+$0x13A30] =	vst.add.f32.msk $0xffff, v14;
	v14 =	vmul.f32 v20, v12  }
0x13e: {  	[tilespmem:s19+$0x13A40] =	vst.add.f32.msk $0xffff, v15;
	v15 =	vmul.f32 v21, v11  }
0x13f: {  	v12 =	vmul.f32 v24, v12;
	[tilespmem:s19+$0x13A70] =	vst.add.f32.msk $0xffff, v14  }
0x140: {  	v11 =	vmul.f32 v25, v11;
	[tilespmem:s19+$0x13A80] =	vst.add.f32.msk $0xffff, v15  }
0x141: {  	v14 =	vmul.f32 v23, v9;
	[tilespmem:s19+$0x13AB0] =	vst.add.f32.msk $0xffff, v12  }
0x142: {  	[tilespmem:s19+$0x13AC0] =	vst.add.f32.msk $0xffff, v11;
	v13 =	vmul.f32 v13, v9  }
0x143: {  	v9 =	vmul.f32 v27, v9;
	[tilespmem:s19+$0x13AA0] =	vst.add.f32.msk $0xffff, v14  }
0x144: {  	[tilespmem:s19+$0x13A60] =	vst.add.f32.msk $0xffff, v13;
	v13 =	vmul.f32 v22, v10  }
0x145: {  	v10 =	vmul.f32 v26, v10;
	[tilespmem:s19+$0x13AE0] =	vst.add.f32.msk $0xffff, v9  }
0x146: {  	[tilespmem:s19+$0x13A90] =	vst.add.f32.msk $0xffff, v13  }
0x147: {  	[tilespmem:s19+$0x13AD0] =	vst.add.f32.msk $0xffff, v10  }
0x148: {  	_ =	swait.ge [sflag:s16], $0x2000  }
0x149: {  	[sflag:s16] =	ssyncset.done $0x0  }
0x14a: {  	[sflag:s16] =	ssyncadd.s32 $0xFFFFE000  }
0x14b: {  	v11 =	vld [tilespmem:$0xF9C0]  }
0x14c: {  	v10 =	vld [tilespmem:$0xF9D0]  }
0x14d: {  	v9 =	vld [tilespmem:$0xF9E0]  }
0x14e: {  	s20 =	simm.s32 $0x400;
	s19 =	simm.s32 $0x0;
	v12 =	vld [tilespmem:$0xF9F0]  }
.LBB2_14:
0x14f: {  	p0 =	sne.s32 s20, $0x7C00;
	v13 =	vld [tilespmem:s19+$0x11AF0]  }
0x150: {  	v14 =	vld [tilespmem:s19+$0x11A00]  }
0x151: {  	v15 =	vld [tilespmem:s19+$0x11A10]  }
0x152: {  	v16 =	vld [tilespmem:s19+$0x11A20]  }
0x153: {  	v17 =	vld [tilespmem:s19+$0x11A30]  }
0x154: {  	v18 =	vld [tilespmem:s19+$0x11A40];
	v13 =	vmul.f32 v13, v12  }
0x155: {  	v14 =	vmul.f32 v14, v11;
	v19 =	vld [tilespmem:s19+$0x11A50]  }
0x156: {  	v15 =	vmul.f32 v15, v10;
	[tilespmem:s19+$0x13AF0] =	vst.add.f32.msk $0xffff, v13  }
0x157: {  	v13 =	vmul.f32 v16, v9;
	v16 =	vld [tilespmem:s19+$0x11A60]  }
0x158: {  	v17 =	vmul.f32 v17, v12;
	v20 =	vld [tilespmem:s19+$0x11A70]  }
0x159: {  	v18 =	vmul.f32 v18, v11;
	v21 =	vld [tilespmem:s19+$0x11A80]  }
0x15a: {  	v19 =	vmul.f32 v19, v10;
	v22 =	vld [tilespmem:s19+$0x11A90]  }
0x15b: {  	v23 =	vld [tilespmem:s19+$0x11AA0]  }
0x15c: {  	v16 =	vmul.f32 v16, v9;
	v24 =	vld [tilespmem:s19+$0x11AB0]  }
0x15d: {  	v20 =	vmul.f32 v20, v12;
	v25 =	vld [tilespmem:s19+$0x11AC0]  }
0x15e: {  	v21 =	vmul.f32 v21, v11;
	v26 =	vld [tilespmem:s19+$0x11AD0]  }
0x15f: {  	v22 =	vmul.f32 v22, v10;
	v27 =	vld [tilespmem:s19+$0x11AE0]  }
0x160: {  	[tilespmem:s19+$0x13A00] =	vst.add.f32.msk $0xffff, v14;
	v14 =	vmul.f32 v23, v9  }
0x161: {  	[tilespmem:s19+$0x13A10] =	vst.add.f32.msk $0xffff, v15;
	v15 =	vmul.f32 v24, v12  }
0x162: {  	[tilespmem:s19+$0x13A20] =	vst.add.f32.msk $0xffff, v13;
	v13 =	vmul.f32 v25, v11  }
0x163: {  	[tilespmem:s19+$0x13A30] =	vst.add.f32.msk $0xffff, v17;
	v17 =	vmul.f32 v26, v10  }
0x164: {  	[tilespmem:s19+$0x13A40] =	vst.add.f32.msk $0xffff, v18;
	v18 =	vmul.f32 v27, v9  }
0x165: {  	[tilespmem:s19+$0x13A50] =	vst.add.f32.msk $0xffff, v19  }
0x166: {  	[tilespmem:s19+$0x13A60] =	vst.add.f32.msk $0xffff, v16  }
0x167: {  	[tilespmem:s19+$0x13A70] =	vst.add.f32.msk $0xffff, v20  }
0x168: {  	[tilespmem:s19+$0x13A80] =	vst.add.f32.msk $0xffff, v21  }
0x169: {  	[tilespmem:s19+$0x13A90] =	vst.add.f32.msk $0xffff, v22  }
.Ltmp7:
0x16a: {  	[tilespmem:s19+$0x13AA0] =	vst.add.f32.msk $0xffff, v14;
	(pc) =	sbr.rel @p0 .LBB2_14-.Ltmp7, $4  }
0x16b: {  	[tilespmem:s19+$0x13AB0] =	vst.add.f32.msk $0xffff, v15  }
0x16c: {  	[tilespmem:s19+$0x13AC0] =	vst.add.f32.msk $0xffff, v13  }
0x16d: {  	[tilespmem:s19+$0x13AD0] =	vst.add.f32.msk $0xffff, v17  }
0x16e: {  	[tilespmem:s19+$0x13AE0] =	vst.add.f32.msk $0xffff, v18;
	s19 =	sshra.s32 s20, $0x2;
	s20 =	sadd.s32 $0x400, s20  }
0x16f: {  	v13 =	vld [tilespmem:s19+$0x11AF0]  }
0x170: {  	v14 =	vld [tilespmem:s19+$0x11A00]  }
0x171: {  	v15 =	vld [tilespmem:s19+$0x11A10]  }
0x172: {  	v16 =	vld [tilespmem:s19+$0x11A20]  }
0x173: {  	v17 =	vld [tilespmem:s19+$0x11A30]  }
0x174: {  	v18 =	vld [tilespmem:s19+$0x11A40]  }
0x175: {  	v19 =	vld [tilespmem:s19+$0x11A50]  }
0x176: {  	v55 =	vld [tilespmem:s19+$0x11A60]  }
0x177: {  	v20 =	vld [tilespmem:s19+$0x11A70]  }
0x178: {  	v21 =	vld [tilespmem:s19+$0x11A80]  }
0x179: {  	v22 =	vld [tilespmem:s19+$0x11A90]  }
0x17a: {  	v23 =	vld [tilespmem:s19+$0x11AA0]  }
0x17b: {  	v24 =	vld [tilespmem:s19+$0x11AB0]  }
0x17c: {  	v25 =	vld [tilespmem:s19+$0x11AC0]  }
0x17d: {  	v26 =	vld [tilespmem:s19+$0x11AD0];
	v13 =	vmul.f32 v13, v12  }
0x17e: {  	v27 =	vld [tilespmem:s19+$0x11AE0];
	v14 =	vmul.f32 v14, v11  }
0x17f: {  	v15 =	vmul.f32 v15, v10;
	[tilespmem:s19+$0x13AF0] =	vst.add.f32.msk $0xffff, v13  }
0x180: {  	v16 =	vmul.f32 v16, v9;
	[tilespmem:s19+$0x13A00] =	vst.add.f32.msk $0xffff, v14  }
0x181: {  	v56 =	vmul.f32 v17, v12;
	[tilespmem:s19+$0x13A10] =	vst.add.f32.msk $0xffff, v15  }
0x182: {  	v57 =	vmul.f32 v18, v11;
	[tilespmem:s19+$0x13A20] =	vst.add.f32.msk $0xffff, v16  }
0x183: {  	v58 =	vmul.f32 v19, v10;
	[tilespmem:s19+$0x13A30] =	vst.add.f32.msk $0xffff, v56  }
0x184: {  	v59 =	vmul.f32 v20, v12;
	[tilespmem:s19+$0x13A40] =	vst.add.f32.msk $0xffff, v57  }
0x185: {  	v60 =	vmul.f32 v21, v11;
	[tilespmem:s19+$0x13A50] =	vst.add.f32.msk $0xffff, v58  }
0x186: {  	v61 =	vmul.f32 v22, v10;
	[tilespmem:s19+$0x13A70] =	vst.add.f32.msk $0xffff, v59  }
0x187: {  	v62 =	vmul.f32 v23, v9;
	[tilespmem:s19+$0x13A80] =	vst.add.f32.msk $0xffff, v60  }
0x188: {  	v63 =	vmul.f32 v24, v12;
	[tilespmem:s19+$0x13A90] =	vst.add.f32.msk $0xffff, v61  }
0x189: {  	v11 =	vmul.f32 v25, v11;
	[tilespmem:s19+$0x13AA0] =	vst.add.f32.msk $0xffff, v62  }
0x18a: {  	v10 =	vmul.f32 v26, v10;
	[tilespmem:s19+$0x13AB0] =	vst.add.f32.msk $0xffff, v63  }
0x18b: {  	v13 =	vmul.f32 v55, v9;
	[tilespmem:s19+$0x13AC0] =	vst.add.f32.msk $0xffff, v11  }
0x18c: {  	s18 =	sadd.s32 $0x1, s18;
	v9 =	vmul.f32 v27, v9;
	[tilespmem:s19+$0x13AD0] =	vst.add.f32.msk $0xffff, v10  }
0x18d: {  	p0 =	sne.s32 s18, s7;
	[tilespmem:s19+$0x13A60] =	vst.add.f32.msk $0xffff, v13  }
.Ltmp8:
0x18e: {  	[tilespmem:s19+$0x13AE0] =	vst.add.f32.msk $0xffff, v9;
	(pc) =	sbr.rel @p0 .LBB2_1-.Ltmp8, $4  }
0x18f: {  	[hbm4b:s6+s2] =	stream.linear.scatter [tilespmem:s17], [sflag:$0x3], $0x2000, $0x38;
	[tilespmem:$0x15A00] =	vst v63  }
0x190: {  	_ =	swait.ge [sflag:s8], $0x2000  }
0x191: {  	[sflag:s8] =	ssyncset.done $0x0  }
0x192: {  	[sflag:s8] =	ssyncadd.s32 $0xFFFFE000  }
0x193: {  	_ =	sfence.sel $0x180000  }
0x194: {  	[bflag:$0x0] =	sbarrier.arrive $0xFFFF  }
0x195: {  	p0 =	sne.s32 s0, $0x0;
	_ =	strace $0x90000047  }
0x196: {  	s0 =	sadd.s32 @!p0 $0x100000, s1;
	[bflag:$0x2] =	sbarrier.arrive $0xFFFF  }
0x197: {  	[sflag:s0] =	ssyncadd.tile.s32 @!p0 $0x1;
	_ =	shalt  }
.Lfunc_end2:
_tile_overlayer_lowered:
.L_overlay_start_2:
0x198: {  	(tag) =	ssettag $0x2  }
0x199: {  	s0 =	rddreg [dreg:$0x0];
	s2 =	stileid.u32  }
0x19a: {  	s1 =	rddreg [dreg:$0x1];
	p0 =	sne.s32 s2, $0x0  }
0x19b: {  	s3 =	rddreg [dreg:$0x2];
	[bflag:$0x3] =	sbarrier.arrive $0xFFFF;
	s2 =	simm.s32 @!p0 $0x1C03  }
0x19c: {  	[timem:s3], [sflag:s2] =	dma.local @!p0 [hbm:s0], s1  }
0x19d: {  	s0 =	simm.s32 @!p0 $0x3  }
0x19e: {  	_ =	swait.ge @!p0 [sflag:s0], s1  }
0x19f: {  	s1 =	ssub.s32 @!p0 $0x0, s1;
	[sflag:s0] =	ssyncset.done @!p0 $0x0  }
0x1a0: {  	[sflag:s0] =	ssyncadd.s32 @!p0 s1  }
0x1a1: {  	[bflag:$0x3] =	sbarrier.arrive $0xFFFF  }
0x1a2: {  	_ =	shalt  }

</sc_bundles>
